<compile_context>
chip_gen: v7x
topology: tpu7x:2x2x1
jax: 0.10.2.dev20260603
libtpu: 0.0.44.dev20260713+nightly
codegen_flags: <defaults>
</compile_context>

<pallas_src>
import functools

import jax
import jax.numpy as jnp
from jax import lax
from jax.experimental import pallas as pl
from jax.experimental.pallas import tpu as pltpu
from jax.experimental.pallas import tpu_sc as plsc

NC, NS, L = 2, 16, 16
NW = NC * NS
ROWS, COLS = 2048, 4096
R_TC = 1920
R_SC = ROWS - R_TC
BR, BC = 8, 2048
TOTAL_BLK = (R_SC // BR) * (COLS // BC)
NBLK = TOTAL_BLK // NW
NSLOT = min(2, NBLK)
TBR = 320

_mesh = plsc.VectorSubcoreMesh(
    core_axis_name="c", subcore_axis_name="s", num_cores=NC, num_subcores=NS
)


@functools.partial(
    pl.kernel,
    mesh=_mesh,
    out_type=jax.ShapeDtypeStruct((R_SC, COLS), jnp.float32),
    scratch_types=[
        pltpu.VMEM((NSLOT, BR, BC), jnp.float32),
        pltpu.VMEM((NSLOT, BR, BC), jnp.int32),
        pltpu.VMEM((NSLOT, BR, BC), jnp.float32),
    ]
    + [pltpu.SemaphoreType.DMA] * (3 * NSLOT),
    compiler_params=pltpu.CompilerParams(use_tc_tiling_on_sc=True),
)
def _cordiv_sc(div_hbm, dsr_hbm, out_hbm, a_v, b_v, o_v, *sems):
    wid = lax.axis_index("s") * NC + lax.axis_index("c")
    sa = sems[0:NSLOT]
    sb = sems[NSLOT : 2 * NSLOT]
    so = sems[2 * NSLOT : 3 * NSLOT]
    zeros = jnp.zeros((L,), jnp.float32)

    def blk(g):
        i = wid + g * NW
        r0 = (i // (COLS // BC)) * BR
        c0 = (i % (COLS // BC)) * BC
        return r0, pl.ds(c0, BC)

    def in_copies(g, s):
        r0, c = blk(g)
        rin = pl.ds(R_TC + r0, BR)
        ca = pltpu.async_copy(div_hbm.at[rin, c], a_v.at[s], sa[s])
        cb = pltpu.async_copy(dsr_hbm.at[rin, c], b_v.at[s], sb[s])
        return ca, cb

    def out_copy(g, s):
        r0, c = blk(g)
        return pltpu.async_copy(o_v.at[s], out_hbm.at[pl.ds(r0, BR), c], so[s])

    pend_in = [None] * NSLOT
    pend_out = [None] * NSLOT
    for g in range(min(NSLOT, NBLK)):
        pend_in[g] = in_copies(g, g)
    for g in range(NBLK):
        s = g % NSLOT
        ca, cb = pend_in[s]
        ca.wait()
        cb.wait()
        if pend_out[s] is not None:
            pend_out[s].wait()
        a_s = a_v.at[s]
        b_s = b_v.at[s]
        o_s = o_v.at[s]

        @plsc.parallel_loop(0, BC, step=L, unroll=2)
        def _(i):
            for r in range(BR):
                d = a_s[r, pl.ds(i, L)]
                q = b_s[r, pl.ds(i, L)]
                o_s[r, pl.ds(i, L)] = jnp.where(q == 1, d, zeros)

        pend_out[s] = out_copy(g, s)
        if g + NSLOT < NBLK:
            pend_in[s] = in_copies(g + NSLOT, s)

    for s in range(NSLOT):
        if pend_out[s] is not None:
            pend_out[s].wait()


def _tc_body(d_ref, q_ref, o_ref):
    o_ref[...] = jnp.where(q_ref[...] == 1, d_ref[...], 0.0)


_cordiv_tc = pl.pallas_call(
    _tc_body,
    grid=(R_TC // TBR,),
    in_specs=[
        pl.BlockSpec((TBR, COLS), lambda i: (i, 0)),
        pl.BlockSpec((TBR, COLS), lambda i: (i, 0)),
    ],
    out_specs=pl.BlockSpec((TBR, COLS), lambda i: (i, 0)),
    out_shape=jax.ShapeDtypeStruct((ROWS, COLS), jnp.float32),
)


def kernel(dividend, divisor):
    sc_out = _cordiv_sc(dividend, divisor)
    tc_out = _cordiv_tc(dividend, divisor)
    return lax.dynamic_update_slice(tc_out, sc_out, (R_TC, 0))

# --- scband reference (transcript-rebuilt; emitter-appended) ---
"""Pipeline reference for scband-cordiv-kernel-22797686407507 (READ-ONLY COPY).

The authoritative reference and input builder live on the scoring server;
editing this copy changes nothing except your own understanding.
"""

import jax, jax.numpy as jnp
import numpy as np

BUF_DEP = 4
# RNG: Sobol, bitwidth=log2(buf_dep)=2, seq_len=4, dim=1.
# torch.quasirandom.SobolEngine(1).draw(4)[:,0] ~= [0.5, 0.75, 0.25, 0.375];
# scaled by seq_len (4) and truncated to long -> [2, 3, 1, 1].
RNG_SEQ = jnp.array([2, 3, 1, 1], dtype=jnp.int32)


def setup_inputs(seed: int = 0) -> dict:
    key = jax.random.key(seed)
    k1, k2 = jax.random.split(key)
    dividend = jax.random.uniform(k1, (2048, 4096), dtype=jnp.float32)
    divisor = jax.random.randint(k2, (2048, 4096), 0, 2, dtype=jnp.int32)
    return {"dividend": dividend, "divisor": divisor}


def reference(dividend, divisor):
    # ShiftReg initial (first-call) state: arange(2) repeated depth/2 times -> [0,1,0,1]
    sr_flat = jnp.tile(jnp.arange(2, dtype=jnp.float32), BUF_DEP // 2)
    idx = 0  # self.idx starts at 0

    divisor_eq_1 = jnp.equal(divisor, 1).astype(jnp.float32)
    # historic_q = self.sr.sr[self.rng[idx % buf_dep]]  (gather from SR state)
    historic_q = sr_flat[RNG_SEQ[idx % BUF_DEP]]
    quotient = (divisor_eq_1 * dividend + (1.0 - divisor_eq_1) * historic_q).reshape(dividend.shape)

    # ShiftReg forward on first call: lazily expand sr to [depth, *input.shape],
    # emit old state + count, then shift (roll) and scatter-overwrite the new
    # quotient bits into the last slot.
    sr = jnp.broadcast_to(
        sr_flat.reshape((BUF_DEP,) + (1,) * dividend.ndim),
        (BUF_DEP,) + dividend.shape,
    )
    dontcare1 = sr  # old sr state (returned by ShiftReg, discarded by CORDIV_kernel)
    dontcare2 = jnp.sum(sr, axis=0)  # count of ones in sr
    sr_new = jnp.roll(sr, -1, axis=0)
    sr_new = sr_new.at[BUF_DEP - 1].set(quotient)  # scatter-overwrite into memory
    _ = (dontcare1, dontcare2, sr_new)

    return quotient

if __name__ == "__main__":
    import jax
    _d = setup_inputs()
    print(jax.jit(kernel)(*tuple(_d.values())))

</pallas_src>

<mosaic_0001>
#map = affine_map<(d0, d1) -> (0, 0)>
module attributes {stable_mosaic.version = 14 : i64} {
  func.func @_cordiv_sc(%arg0: i32, %arg1: i32, %arg2: memref<2048x4096xf32, #tpu.memory_space<hbm>>, %arg3: memref<2048x4096xi32, #tpu.memory_space<hbm>>, %arg4: memref<128x4096xf32, #tpu.memory_space<hbm>>, %arg5: memref<1x8x2048xf32, #tpu.memory_space<vmem>>, %arg6: memref<1x8x2048xi32, #tpu.memory_space<vmem>>, %arg7: memref<1x8x2048xf32, #tpu.memory_space<vmem>>, %arg8: memref<!tpu.dma_semaphore, #tpu.memory_space<semaphore_mem>>, %arg9: memref<!tpu.dma_semaphore, #tpu.memory_space<semaphore_mem>>, %arg10: memref<!tpu.dma_semaphore, #tpu.memory_space<semaphore_mem>>) attributes {dimension_semantics = [#tpu.dimension_semantics<core_parallel>, #tpu.dimension_semantics<subcore_parallel>], iteration_bounds = array<i64: 2, 16>, scalar_prefetch = 0 : i64, scratch_operands = 6 : i64, tpu.core_type = #tpu.core_type<sc_vector_subcore>, window_params = [{transform_indices = #map}, {transform_indices = #map}, {transform_indices = #map}]} {
    %mul3A = arith.constant 2 : i32
    %mul3A_0 = arith.muli %arg1, %mul3A : i32
    %add3A = arith.addi %mul3A_0, %arg0 : i32
    %broadcast_in_dim3A = arith.constant 0.000000e+00 : f32
    %broadcast_in_dim3A_1 = vector.broadcast %broadcast_in_dim3A : f32 to vector<16xf32>
    %add3A_2 = arith.constant 0 : i32
    %add3A_3 = arith.addi %add3A, %add3A_2 : i32
    %jit3A = arith.constant 2 : i32
    %div3A = arith.divsi %add3A_3, %jit3A : i32
    %sign3A = arith.constant 0 : i32
    %sign3A_4 = arith.cmpi sgt, %add3A_3, %sign3A : i32
    %sign3A_5 = arith.extui %sign3A_4 : i1 to i32
    %sign3A_6 = arith.constant 0 : i32
    %sign3A_7 = arith.cmpi slt, %add3A_3, %sign3A_6 : i32
    %sign3A_8 = arith.extui %sign3A_7 : i1 to i32
    %sign3A_9 = arith.subi %sign3A_5, %sign3A_8 : i32
    %sign3A_10 = arith.constant 0 : i32
    %sign3A_11 = arith.cmpi sgt, %jit3A, %sign3A_10 : i32
    %sign3A_12 = arith.extui %sign3A_11 : i1 to i32
    %sign3A_13 = arith.constant 0 : i32
    %sign3A_14 = arith.cmpi slt, %jit3A, %sign3A_13 : i32
    %sign3A_15 = arith.extui %sign3A_14 : i1 to i32
    %sign3A_16 = arith.subi %sign3A_12, %sign3A_15 : i32
    %ne3A = arith.cmpi ne, %sign3A_9, %sign3A_16 : i32
    %rem3A = arith.remsi %add3A_3, %jit3A : i32
    %ne3A_17 = arith.constant 0 : i32
    %ne3A_18 = arith.cmpi ne, %rem3A, %ne3A_17 : i32
    %and3A = arith.andi %ne3A, %ne3A_18 : i1
    %sub3A = arith.constant 1 : i32
    %sub3A_19 = arith.subi %div3A, %sub3A : i32
    %select_n3A = arith.select %and3A, %sub3A_19, %div3A : i32
    %mul3A_20 = arith.constant 8 : i32
    %mul3A_21 = arith.muli %select_n3A, %mul3A_20 : i32
    %jit3A_22 = arith.constant 2 : i32
    %eq3A = arith.constant 0 : i32
    %eq3A_23 = arith.cmpi eq, %jit3A_22, %eq3A : i32
    %jit3A_24 = arith.constant 1 : i32
    %select_n3A_25 = arith.select %eq3A_23, %jit3A_24, %jit3A_22 : i32
    %rem3A_26 = arith.remsi %add3A_3, %select_n3A_25 : i32
    %ne3A_27 = arith.constant 0 : i32
    %ne3A_28 = arith.cmpi ne, %rem3A_26, %ne3A_27 : i32
    %lt3A = arith.constant 0 : i32
    %lt3A_29 = arith.cmpi slt, %rem3A_26, %lt3A : i32
    %lt3A_30 = arith.constant 0 : i32
    %lt3A_31 = arith.cmpi slt, %select_n3A_25, %lt3A_30 : i32
    %ne3A_32 = arith.xori %lt3A_29, %lt3A_31 : i1
    %and3A_33 = arith.andi %ne3A_32, %ne3A_28 : i1
    %add3A_34 = arith.addi %rem3A_26, %select_n3A_25 : i32
    %select_n3A_35 = arith.select %and3A_33, %add3A_34, %rem3A_26 : i32
    %mul3A_36 = arith.constant 2048 : i32
    %mul3A_37 = arith.muli %select_n3A_35, %mul3A_36 : i32
    %add3A_38 = arith.constant 1920 : i32
    %add3A_39 = arith.addi %add3A_38, %mul3A_21 : i32
    %dma_start3A = arith.constant 0 : i32
    %dma_start3A_40 = arith.constant 0 : i32
    %dma_start3A_41 = arith.constant 0 : i32
    %dma_start3A_42 = tpu.memref_slice %arg5[%dma_start3A, %dma_start3A_40, %dma_start3A_41] : memref<1x8x2048xf32, #tpu.memory_space<vmem>> -> memref<1x8x2048xf32, #tpu.memory_space<vmem>>
    %dma_start3A_43 = tpu.memref_squeeze %dma_start3A_42 : memref<1x8x2048xf32, #tpu.memory_space<vmem>> -> memref<8x2048xf32, #tpu.memory_space<vmem>>
    %dma_start3A_44 = tpu.memref_slice %arg2[%add3A_39, %mul3A_37] : memref<2048x4096xf32, #tpu.memory_space<hbm>> -> memref<8x2048xf32, #tpu.memory_space<hbm>>
    %dma_start3A_45 = arith.constant 0 : i32
    %dma_start3A_46 = arith.constant 0 : i32
    %dma_start3A_47 = tpu.memref_slice %arg5[%dma_start3A, %dma_start3A_45, %dma_start3A_46] : memref<1x8x2048xf32, #tpu.memory_space<vmem>> -> memref<1x8x2048xf32, #tpu.memory_space<vmem>>
    %dma_start3A_48 = tpu.memref_squeeze %dma_start3A_47 : memref<1x8x2048xf32, #tpu.memory_space<vmem>> -> memref<8x2048xf32, #tpu.memory_space<vmem>>
    %dma_start3A_49 = tpu.memref_slice %arg2[%add3A_39, %mul3A_37] : memref<2048x4096xf32, #tpu.memory_space<hbm>> -> memref<8x2048xf32, #tpu.memory_space<hbm>>
    tpu.enqueue_dma source(%dma_start3A_49 : memref<8x2048xf32, #tpu.memory_space<hbm>>) target(%dma_start3A_48 : memref<8x2048xf32, #tpu.memory_space<vmem>>) target_semaphore(%arg8 : memref<!tpu.dma_semaphore, #tpu.memory_space<semaphore_mem>>)
    %dma_start3A_50 = arith.constant 0 : i32
    %dma_start3A_51 = arith.constant 0 : i32
    %dma_start3A_52 = arith.constant 0 : i32
    %dma_start3A_53 = tpu.memref_slice %arg6[%dma_start3A_50, %dma_start3A_51, %dma_start3A_52] : memref<1x8x2048xi32, #tpu.memory_space<vmem>> -> memref<1x8x2048xi32, #tpu.memory_space<vmem>>
    %dma_start3A_54 = tpu.memref_squeeze %dma_start3A_53 : memref<1x8x2048xi32, #tpu.memory_space<vmem>> -> memref<8x2048xi32, #tpu.memory_space<vmem>>
    %dma_start3A_55 = tpu.memref_slice %arg3[%add3A_39, %mul3A_37] : memref<2048x4096xi32, #tpu.memory_space<hbm>> -> memref<8x2048xi32, #tpu.memory_space<hbm>>
    %dma_start3A_56 = arith.constant 0 : i32
    %dma_start3A_57 = arith.constant 0 : i32
    %dma_start3A_58 = tpu.memref_slice %arg6[%dma_start3A_50, %dma_start3A_56, %dma_start3A_57] : memref<1x8x2048xi32, #tpu.memory_space<vmem>> -> memref<1x8x2048xi32, #tpu.memory_space<vmem>>
    %dma_start3A_59 = tpu.memref_squeeze %dma_start3A_58 : memref<1x8x2048xi32, #tpu.memory_space<vmem>> -> memref<8x2048xi32, #tpu.memory_space<vmem>>
    %dma_start3A_60 = tpu.memref_slice %arg3[%add3A_39, %mul3A_37] : memref<2048x4096xi32, #tpu.memory_space<hbm>> -> memref<8x2048xi32, #tpu.memory_space<hbm>>
    tpu.enqueue_dma source(%dma_start3A_60 : memref<8x2048xi32, #tpu.memory_space<hbm>>) target(%dma_start3A_59 : memref<8x2048xi32, #tpu.memory_space<vmem>>) target_semaphore(%arg9 : memref<!tpu.dma_semaphore, #tpu.memory_space<semaphore_mem>>)
    %dma_wait3A = arith.constant 0 : i32
    %dma_wait3A_61 = arith.constant 0 : i32
    %dma_wait3A_62 = arith.constant 0 : i32
    %dma_wait3A_63 = tpu.memref_slice %arg5[%dma_wait3A, %dma_wait3A_61, %dma_wait3A_62] : memref<1x8x2048xf32, #tpu.memory_space<vmem>> -> memref<1x8x2048xf32, #tpu.memory_space<vmem>>
    %dma_wait3A_64 = tpu.memref_squeeze %dma_wait3A_63 : memref<1x8x2048xf32, #tpu.memory_space<vmem>> -> memref<8x2048xf32, #tpu.memory_space<vmem>>
    %dma_wait3A_65 = tpu.memref_slice %arg2[%add3A_39, %mul3A_37] : memref<2048x4096xf32, #tpu.memory_space<hbm>> -> memref<8x2048xf32, #tpu.memory_space<hbm>>
    %dma_wait3A_66 = arith.constant 0 : i32
    %dma_wait3A_67 = arith.constant 0 : i32
    %dma_wait3A_68 = tpu.memref_slice %arg5[%dma_wait3A, %dma_wait3A_66, %dma_wait3A_67] : memref<1x8x2048xf32, #tpu.memory_space<vmem>> -> memref<1x8x2048xf32, #tpu.memory_space<vmem>>
    %dma_wait3A_69 = tpu.memref_squeeze %dma_wait3A_68 : memref<1x8x2048xf32, #tpu.memory_space<vmem>> -> memref<8x2048xf32, #tpu.memory_space<vmem>>
    %dma_wait3A_70 = tpu.memref_slice %arg2[%add3A_39, %mul3A_37] : memref<2048x4096xf32, #tpu.memory_space<hbm>> -> memref<8x2048xf32, #tpu.memory_space<hbm>>
    tpu.wait_dma2 semaphore(%arg8 : memref<!tpu.dma_semaphore, #tpu.memory_space<semaphore_mem>>) src(%dma_wait3A_70 : memref<8x2048xf32, #tpu.memory_space<hbm>>) dst(%dma_wait3A_69 : memref<8x2048xf32, #tpu.memory_space<vmem>>)
    %dma_wait3A_71 = arith.constant 0 : i32
    %dma_wait3A_72 = arith.constant 0 : i32
    %dma_wait3A_73 = arith.constant 0 : i32
    %dma_wait3A_74 = tpu.memref_slice %arg6[%dma_wait3A_71, %dma_wait3A_72, %dma_wait3A_73] : memref<1x8x2048xi32, #tpu.memory_space<vmem>> -> memref<1x8x2048xi32, #tpu.memory_space<vmem>>
    %dma_wait3A_75 = tpu.memref_squeeze %dma_wait3A_74 : memref<1x8x2048xi32, #tpu.memory_space<vmem>> -> memref<8x2048xi32, #tpu.memory_space<vmem>>
    %dma_wait3A_76 = tpu.memref_slice %arg3[%add3A_39, %mul3A_37] : memref<2048x4096xi32, #tpu.memory_space<hbm>> -> memref<8x2048xi32, #tpu.memory_space<hbm>>
    %dma_wait3A_77 = arith.constant 0 : i32
    %dma_wait3A_78 = arith.constant 0 : i32
    %dma_wait3A_79 = tpu.memref_slice %arg6[%dma_wait3A_71, %dma_wait3A_77, %dma_wait3A_78] : memref<1x8x2048xi32, #tpu.memory_space<vmem>> -> memref<1x8x2048xi32, #tpu.memory_space<vmem>>
    %dma_wait3A_80 = tpu.memref_squeeze %dma_wait3A_79 : memref<1x8x2048xi32, #tpu.memory_space<vmem>> -> memref<8x2048xi32, #tpu.memory_space<vmem>>
    %dma_wait3A_81 = tpu.memref_slice %arg3[%add3A_39, %mul3A_37] : memref<2048x4096xi32, #tpu.memory_space<hbm>> -> memref<8x2048xi32, #tpu.memory_space<hbm>>
    tpu.wait_dma2 semaphore(%arg9 : memref<!tpu.dma_semaphore, #tpu.memory_space<semaphore_mem>>) src(%dma_wait3A_81 : memref<8x2048xi32, #tpu.memory_space<hbm>>) dst(%dma_wait3A_80 : memref<8x2048xi32, #tpu.memory_space<vmem>>)
    %parallel_loop3A = arith.constant 0 : i32
    %parallel_loop3A_82 = arith.constant 2048 : i32
    %parallel_loop3A_83 = arith.constant 16 : i32
    %parallel_loop3A_84 = arith.constant 0 : i32
    %parallel_loop3A_85 = arith.constant 0 : i32
    %parallel_loop3A_86 = arith.constant 0 : i32
    scf.for %parallel_loop3A_155 = %parallel_loop3A to %parallel_loop3A_82 step %parallel_loop3A_83  : i32 {
      %parallel_loop3A_156 = arith.constant 0 : i32
      %parallel_loop3A_157 = arith.constant 0 : i32
      %parallel_loop3A_158 = arith.constant 0 : i32
      %parallel_loop3A_159 = tpu.memref_slice %arg5[%parallel_loop3A_84, %parallel_loop3A_157, %parallel_loop3A_158] : memref<1x8x2048xf32, #tpu.memory_space<vmem>> -> memref<1x8x2048xf32, #tpu.memory_space<vmem>>
      %parallel_loop3A_160 = tpu.memref_squeeze %parallel_loop3A_159 : memref<1x8x2048xf32, #tpu.memory_space<vmem>> -> memref<8x2048xf32, #tpu.memory_space<vmem>>
      %parallel_loop3A_161 = arith.index_cast %parallel_loop3A_156 : i32 to index
      %parallel_loop3A_162 = arith.index_cast %parallel_loop3A_155 : i32 to index
      %parallel_loop3A_163 = tpu.vector_load %parallel_loop3A_160[%parallel_loop3A_161, %parallel_loop3A_162] {strides = array<i32>} : memref<8x2048xf32, #tpu.memory_space<vmem>>, vector<1x16xf32>,
      %parallel_loop3A_164 = vector.shape_cast %parallel_loop3A_163 : vector<1x16xf32> to vector<16xf32>
      %parallel_loop3A_165 = arith.constant 0 : i32
      %parallel_loop3A_166 = arith.constant 0 : i32
      %parallel_loop3A_167 = arith.constant 0 : i32
      %parallel_loop3A_168 = tpu.memref_slice %arg6[%parallel_loop3A_85, %parallel_loop3A_166, %parallel_loop3A_167] : memref<1x8x2048xi32, #tpu.memory_space<vmem>> -> memref<1x8x2048xi32, #tpu.memory_space<vmem>>
      %parallel_loop3A_169 = tpu.memref_squeeze %parallel_loop3A_168 : memref<1x8x2048xi32, #tpu.memory_space<vmem>> -> memref<8x2048xi32, #tpu.memory_space<vmem>>
      %parallel_loop3A_170 = arith.index_cast %parallel_loop3A_165 : i32 to index
      %parallel_loop3A_171 = arith.index_cast %parallel_loop3A_155 : i32 to index
      %parallel_loop3A_172 = tpu.vector_load %parallel_loop3A_169[%parallel_loop3A_170, %parallel_loop3A_171] {strides = array<i32>} : memref<8x2048xi32, #tpu.memory_space<vmem>>, vector<1x16xi32>,
      %parallel_loop3A_173 = vector.shape_cast %parallel_loop3A_172 : vector<1x16xi32> to vector<16xi32>
      %parallel_loop3A_174 = arith.constant 1 : i32
      %parallel_loop3A_175 = vector.broadcast %parallel_loop3A_174 : i32 to vector<16xi32>
      %parallel_loop3A_176 = arith.cmpi eq, %parallel_loop3A_173, %parallel_loop3A_175 : vector<16xi32>
      %parallel_loop3A_177 = arith.select %parallel_loop3A_176, %parallel_loop3A_164, %broadcast_in_dim3A_1 : vector<16xi1>, vector<16xf32>
      %parallel_loop3A_178 = arith.constant 0 : i32
      %parallel_loop3A_179 = arith.constant 0 : i32
      %parallel_loop3A_180 = arith.constant 0 : i32
      %parallel_loop3A_181 = tpu.memref_slice %arg7[%parallel_loop3A_86, %parallel_loop3A_179, %parallel_loop3A_180] : memref<1x8x2048xf32, #tpu.memory_space<vmem>> -> memref<1x8x2048xf32, #tpu.memory_space<vmem>>
      %parallel_loop3A_182 = tpu.memref_squeeze %parallel_loop3A_181 : memref<1x8x2048xf32, #tpu.memory_space<vmem>> -> memref<8x2048xf32, #tpu.memory_space<vmem>>
      %parallel_loop3A_183 = arith.index_cast %parallel_loop3A_178 : i32 to index
      %parallel_loop3A_184 = arith.index_cast %parallel_loop3A_155 : i32 to index
      %parallel_loop3A_185 = tpu.vector_load %parallel_loop3A_182[%parallel_loop3A_183, %parallel_loop3A_184] {strides = array<i32>} : memref<8x2048xf32, #tpu.memory_space<vmem>>, vector<1x16xf32>,
      %parallel_loop3A_186 = vector.shape_cast %parallel_loop3A_185 : vector<1x16xf32> to vector<16xf32>
      %parallel_loop3A_187 = vector.shape_cast %parallel_loop3A_177 : vector<16xf32> to vector<1x16xf32>
      tpu.vector_store %parallel_loop3A_182[%parallel_loop3A_183, %parallel_loop3A_184], %parallel_loop3A_187 {strides = array<i32>} : memref<8x2048xf32, #tpu.memory_space<vmem>>, vector<1x16xf32>,
      %parallel_loop3A_188 = arith.constant 1 : i32
      %parallel_loop3A_189 = arith.constant 0 : i32
      %parallel_loop3A_190 = arith.constant 0 : i32
      %parallel_loop3A_191 = tpu.memref_slice %arg5[%parallel_loop3A_84, %parallel_loop3A_189, %parallel_loop3A_190] : memref<1x8x2048xf32, #tpu.memory_space<vmem>> -> memref<1x8x2048xf32, #tpu.memory_space<vmem>>
      %parallel_loop3A_192 = tpu.memref_squeeze %parallel_loop3A_191 : memref<1x8x2048xf32, #tpu.memory_space<vmem>> -> memref<8x2048xf32, #tpu.memory_space<vmem>>
      %parallel_loop3A_193 = arith.index_cast %parallel_loop3A_188 : i32 to index
      %parallel_loop3A_194 = arith.index_cast %parallel_loop3A_155 : i32 to index
      %parallel_loop3A_195 = tpu.vector_load %parallel_loop3A_192[%parallel_loop3A_193, %parallel_loop3A_194] {strides = array<i32>} : memref<8x2048xf32, #tpu.memory_space<vmem>>, vector<1x16xf32>,
      %parallel_loop3A_196 = vector.shape_cast %parallel_loop3A_195 : vector<1x16xf32> to vector<16xf32>
      %parallel_loop3A_197 = arith.constant 1 : i32
      %parallel_loop3A_198 = arith.constant 0 : i32
      %parallel_loop3A_199 = arith.constant 0 : i32
      %parallel_loop3A_200 = tpu.memref_slice %arg6[%parallel_loop3A_85, %parallel_loop3A_198, %parallel_loop3A_199] : memref<1x8x2048xi32, #tpu.memory_space<vmem>> -> memref<1x8x2048xi32, #tpu.memory_space<vmem>>
      %parallel_loop3A_201 = tpu.memref_squeeze %parallel_loop3A_200 : memref<1x8x2048xi32, #tpu.memory_space<vmem>> -> memref<8x2048xi32, #tpu.memory_space<vmem>>
      %parallel_loop3A_202 = arith.index_cast %parallel_loop3A_197 : i32 to index
      %parallel_loop3A_203 = arith.index_cast %parallel_loop3A_155 : i32 to index
      %parallel_loop3A_204 = tpu.vector_load %parallel_loop3A_201[%parallel_loop3A_202, %parallel_loop3A_203] {strides = array<i32>} : memref<8x2048xi32, #tpu.memory_space<vmem>>, vector<1x16xi32>,
      %parallel_loop3A_205 = vector.shape_cast %parallel_loop3A_204 : vector<1x16xi32> to vector<16xi32>
      %parallel_loop3A_206 = arith.constant 1 : i32
      %parallel_loop3A_207 = vector.broadcast %parallel_loop3A_206 : i32 to vector<16xi32>
      %parallel_loop3A_208 = arith.cmpi eq, %parallel_loop3A_205, %parallel_loop3A_207 : vector<16xi32>
      %parallel_loop3A_209 = arith.select %parallel_loop3A_208, %parallel_loop3A_196, %broadcast_in_dim3A_1 : vector<16xi1>, vector<16xf32>
      %parallel_loop3A_210 = arith.constant 1 : i32
      %parallel_loop3A_211 = arith.constant 0 : i32
      %parallel_loop3A_212 = arith.constant 0 : i32
      %parallel_loop3A_213 = tpu.memref_slice %arg7[%parallel_loop3A_86, %parallel_loop3A_211, %parallel_loop3A_212] : memref<1x8x2048xf32, #tpu.memory_space<vmem>> -> memref<1x8x2048xf32, #tpu.memory_space<vmem>>
      %parallel_loop3A_214 = tpu.memref_squeeze %parallel_loop3A_213 : memref<1x8x2048xf32, #tpu.memory_space<vmem>> -> memref<8x2048xf32, #tpu.memory_space<vmem>>
      %parallel_loop3A_215 = arith.index_cast %parallel_loop3A_210 : i32 to index
      %parallel_loop3A_216 = arith.index_cast %parallel_loop3A_155 : i32 to index
      %parallel_loop3A_217 = tpu.vector_load %parallel_loop3A_214[%parallel_loop3A_215, %parallel_loop3A_216] {strides = array<i32>} : memref<8x2048xf32, #tpu.memory_space<vmem>>, vector<1x16xf32>,
      %parallel_loop3A_218 = vector.shape_cast %parallel_loop3A_217 : vector<1x16xf32> to vector<16xf32>
      %parallel_loop3A_219 = vector.shape_cast %parallel_loop3A_209 : vector<16xf32> to vector<1x16xf32>
      tpu.vector_store %parallel_loop3A_214[%parallel_loop3A_215, %parallel_loop3A_216], %parallel_loop3A_219 {strides = array<i32>} : memref<8x2048xf32, #tpu.memory_space<vmem>>, vector<1x16xf32>,
      %parallel_loop3A_220 = arith.constant 2 : i32
      %parallel_loop3A_221 = arith.constant 0 : i32
      %parallel_loop3A_222 = arith.constant 0 : i32
      %parallel_loop3A_223 = tpu.memref_slice %arg5[%parallel_loop3A_84, %parallel_loop3A_221, %parallel_loop3A_222] : memref<1x8x2048xf32, #tpu.memory_space<vmem>> -> memref<1x8x2048xf32, #tpu.memory_space<vmem>>
      %parallel_loop3A_224 = tpu.memref_squeeze %parallel_loop3A_223 : memref<1x8x2048xf32, #tpu.memory_space<vmem>> -> memref<8x2048xf32, #tpu.memory_space<vmem>>
      %parallel_loop3A_225 = arith.index_cast %parallel_loop3A_220 : i32 to index
      %parallel_loop3A_226 = arith.index_cast %parallel_loop3A_155 : i32 to index
      %parallel_loop3A_227 = tpu.vector_load %parallel_loop3A_224[%parallel_loop3A_225, %parallel_loop3A_226] {strides = array<i32>} : memref<8x2048xf32, #tpu.memory_space<vmem>>, vector<1x16xf32>,
      %parallel_loop3A_228 = vector.shape_cast %parallel_loop3A_227 : vector<1x16xf32> to vector<16xf32>
      %parallel_loop3A_229 = arith.constant 2 : i32
      %parallel_loop3A_230 = arith.constant 0 : i32
      %parallel_loop3A_231 = arith.constant 0 : i32
      %parallel_loop3A_232 = tpu.memref_slice %arg6[%parallel_loop3A_85, %parallel_loop3A_230, %parallel_loop3A_231] : memref<1x8x2048xi32, #tpu.memory_space<vmem>> -> memref<1x8x2048xi32, #tpu.memory_space<vmem>>
      %parallel_loop3A_233 = tpu.memref_squeeze %parallel_loop3A_232 : memref<1x8x2048xi32, #tpu.memory_space<vmem>> -> memref<8x2048xi32, #tpu.memory_space<vmem>>
      %parallel_loop3A_234 = arith.index_cast %parallel_loop3A_229 : i32 to index
      %parallel_loop3A_235 = arith.index_cast %parallel_loop3A_155 : i32 to index
      %parallel_loop3A_236 = tpu.vector_load %parallel_loop3A_233[%parallel_loop3A_234, %parallel_loop3A_235] {strides = array<i32>} : memref<8x2048xi32, #tpu.memory_space<vmem>>, vector<1x16xi32>,
      %parallel_loop3A_237 = vector.shape_cast %parallel_loop3A_236 : vector<1x16xi32> to vector<16xi32>
      %parallel_loop3A_238 = arith.constant 1 : i32
      %parallel_loop3A_239 = vector.broadcast %parallel_loop3A_238 : i32 to vector<16xi32>
      %parallel_loop3A_240 = arith.cmpi eq, %parallel_loop3A_237, %parallel_loop3A_239 : vector<16xi32>
      %parallel_loop3A_241 = arith.select %parallel_loop3A_240, %parallel_loop3A_228, %broadcast_in_dim3A_1 : vector<16xi1>, vector<16xf32>
      %parallel_loop3A_242 = arith.constant 2 : i32
      %parallel_loop3A_243 = arith.constant 0 : i32
      %parallel_loop3A_244 = arith.constant 0 : i32
      %parallel_loop3A_245 = tpu.memref_slice %arg7[%parallel_loop3A_86, %parallel_loop3A_243, %parallel_loop3A_244] : memref<1x8x2048xf32, #tpu.memory_space<vmem>> -> memref<1x8x2048xf32, #tpu.memory_space<vmem>>
      %parallel_loop3A_246 = tpu.memref_squeeze %parallel_loop3A_245 : memref<1x8x2048xf32, #tpu.memory_space<vmem>> -> memref<8x2048xf32, #tpu.memory_space<vmem>>
      %parallel_loop3A_247 = arith.index_cast %parallel_loop3A_242 : i32 to index
      %parallel_loop3A_248 = arith.index_cast %parallel_loop3A_155 : i32 to index
      %parallel_loop3A_249 = tpu.vector_load %parallel_loop3A_246[%parallel_loop3A_247, %parallel_loop3A_248] {strides = array<i32>} : memref<8x2048xf32, #tpu.memory_space<vmem>>, vector<1x16xf32>,
      %parallel_loop3A_250 = vector.shape_cast %parallel_loop3A_249 : vector<1x16xf32> to vector<16xf32>
      %parallel_loop3A_251 = vector.shape_cast %parallel_loop3A_241 : vector<16xf32> to vector<1x16xf32>
      tpu.vector_store %parallel_loop3A_246[%parallel_loop3A_247, %parallel_loop3A_248], %parallel_loop3A_251 {strides = array<i32>} : memref<8x2048xf32, #tpu.memory_space<vmem>>, vector<1x16xf32>,
      %parallel_loop3A_252 = arith.constant 3 : i32
      %parallel_loop3A_253 = arith.constant 0 : i32
      %parallel_loop3A_254 = arith.constant 0 : i32
      %parallel_loop3A_255 = tpu.memref_slice %arg5[%parallel_loop3A_84, %parallel_loop3A_253, %parallel_loop3A_254] : memref<1x8x2048xf32, #tpu.memory_space<vmem>> -> memref<1x8x2048xf32, #tpu.memory_space<vmem>>
      %parallel_loop3A_256 = tpu.memref_squeeze %parallel_loop3A_255 : memref<1x8x2048xf32, #tpu.memory_space<vmem>> -> memref<8x2048xf32, #tpu.memory_space<vmem>>
      %parallel_loop3A_257 = arith.index_cast %parallel_loop3A_252 : i32 to index
      %parallel_loop3A_258 = arith.index_cast %parallel_loop3A_155 : i32 to index
      %parallel_loop3A_259 = tpu.vector_load %parallel_loop3A_256[%parallel_loop3A_257, %parallel_loop3A_258] {strides = array<i32>} : memref<8x2048xf32, #tpu.memory_space<vmem>>, vector<1x16xf32>,
      %parallel_loop3A_260 = vector.shape_cast %parallel_loop3A_259 : vector<1x16xf32> to vector<16xf32>
      %parallel_loop3A_261 = arith.constant 3 : i32
      %parallel_loop3A_262 = arith.constant 0 : i32
      %parallel_loop3A_263 = arith.constant 0 : i32
      %parallel_loop3A_264 = tpu.memref_slice %arg6[%parallel_loop3A_85, %parallel_loop3A_262, %parallel_loop3A_263] : memref<1x8x2048xi32, #tpu.memory_space<vmem>> -> memref<1x8x2048xi32, #tpu.memory_space<vmem>>
      %parallel_loop3A_265 = tpu.memref_squeeze %parallel_loop3A_264 : memref<1x8x2048xi32, #tpu.memory_space<vmem>> -> memref<8x2048xi32, #tpu.memory_space<vmem>>
      %parallel_loop3A_266 = arith.index_cast %parallel_loop3A_261 : i32 to index
      %parallel_loop3A_267 = arith.index_cast %parallel_loop3A_155 : i32 to index
      %parallel_loop3A_268 = tpu.vector_load %parallel_loop3A_265[%parallel_loop3A_266, %parallel_loop3A_267] {strides = array<i32>} : memref<8x2048xi32, #tpu.memory_space<vmem>>, vector<1x16xi32>,
      %parallel_loop3A_269 = vector.shape_cast %parallel_loop3A_268 : vector<1x16xi32> to vector<16xi32>
      %parallel_loop3A_270 = arith.constant 1 : i32
      %parallel_loop3A_271 = vector.broadcast %parallel_loop3A_270 : i32 to vector<16xi32>
      %parallel_loop3A_272 = arith.cmpi eq, %parallel_loop3A_269, %parallel_loop3A_271 : vector<16xi32>
      %parallel_loop3A_273 = arith.select %parallel_loop3A_272, %parallel_loop3A_260, %broadcast_in_dim3A_1 : vector<16xi1>, vector<16xf32>
      %parallel_loop3A_274 = arith.constant 3 : i32
      %parallel_loop3A_275 = arith.constant 0 : i32
      %parallel_loop3A_276 = arith.constant 0 : i32
      %parallel_loop3A_277 = tpu.memref_slice %arg7[%parallel_loop3A_86, %parallel_loop3A_275, %parallel_loop3A_276] : memref<1x8x2048xf32, #tpu.memory_space<vmem>> -> memref<1x8x2048xf32, #tpu.memory_space<vmem>>
      %parallel_loop3A_278 = tpu.memref_squeeze %parallel_loop3A_277 : memref<1x8x2048xf32, #tpu.memory_space<vmem>> -> memref<8x2048xf32, #tpu.memory_space<vmem>>
      %parallel_loop3A_279 = arith.index_cast %parallel_loop3A_274 : i32 to index
      %parallel_loop3A_280 = arith.index_cast %parallel_loop3A_155 : i32 to index
      %parallel_loop3A_281 = tpu.vector_load %parallel_loop3A_278[%parallel_loop3A_279, %parallel_loop3A_280] {strides = array<i32>} : memref<8x2048xf32, #tpu.memory_space<vmem>>, vector<1x16xf32>,
      %parallel_loop3A_282 = vector.shape_cast %parallel_loop3A_281 : vector<1x16xf32> to vector<16xf32>
      %parallel_loop3A_283 = vector.shape_cast %parallel_loop3A_273 : vector<16xf32> to vector<1x16xf32>
      tpu.vector_store %parallel_loop3A_278[%parallel_loop3A_279, %parallel_loop3A_280], %parallel_loop3A_283 {strides = array<i32>} : memref<8x2048xf32, #tpu.memory_space<vmem>>, vector<1x16xf32>,
      %parallel_loop3A_284 = arith.constant 4 : i32
      %parallel_loop3A_285 = arith.constant 0 : i32
      %parallel_loop3A_286 = arith.constant 0 : i32
      %parallel_loop3A_287 = tpu.memref_slice %arg5[%parallel_loop3A_84, %parallel_loop3A_285, %parallel_loop3A_286] : memref<1x8x2048xf32, #tpu.memory_space<vmem>> -> memref<1x8x2048xf32, #tpu.memory_space<vmem>>
      %parallel_loop3A_288 = tpu.memref_squeeze %parallel_loop3A_287 : memref<1x8x2048xf32, #tpu.memory_space<vmem>> -> memref<8x2048xf32, #tpu.memory_space<vmem>>
      %parallel_loop3A_289 = arith.index_cast %parallel_loop3A_284 : i32 to index
      %parallel_loop3A_290 = arith.index_cast %parallel_loop3A_155 : i32 to index
      %parallel_loop3A_291 = tpu.vector_load %parallel_loop3A_288[%parallel_loop3A_289, %parallel_loop3A_290] {strides = array<i32>} : memref<8x2048xf32, #tpu.memory_space<vmem>>, vector<1x16xf32>,
      %parallel_loop3A_292 = vector.shape_cast %parallel_loop3A_291 : vector<1x16xf32> to vector<16xf32>
      %parallel_loop3A_293 = arith.constant 4 : i32
      %parallel_loop3A_294 = arith.constant 0 : i32
      %parallel_loop3A_295 = arith.constant 0 : i32
      %parallel_loop3A_296 = tpu.memref_slice %arg6[%parallel_loop3A_85, %parallel_loop3A_294, %parallel_loop3A_295] : memref<1x8x2048xi32, #tpu.memory_space<vmem>> -> memref<1x8x2048xi32, #tpu.memory_space<vmem>>
      %parallel_loop3A_297 = tpu.memref_squeeze %parallel_loop3A_296 : memref<1x8x2048xi32, #tpu.memory_space<vmem>> -> memref<8x2048xi32, #tpu.memory_space<vmem>>
      %parallel_loop3A_298 = arith.index_cast %parallel_loop3A_293 : i32 to index
      %parallel_loop3A_299 = arith.index_cast %parallel_loop3A_155 : i32 to index
      %parallel_loop3A_300 = tpu.vector_load %parallel_loop3A_297[%parallel_loop3A_298, %parallel_loop3A_299] {strides = array<i32>} : memref<8x2048xi32, #tpu.memory_space<vmem>>, vector<1x16xi32>,
      %parallel_loop3A_301 = vector.shape_cast %parallel_loop3A_300 : vector<1x16xi32> to vector<16xi32>
      %parallel_loop3A_302 = arith.constant 1 : i32
      %parallel_loop3A_303 = vector.broadcast %parallel_loop3A_302 : i32 to vector<16xi32>
      %parallel_loop3A_304 = arith.cmpi eq, %parallel_loop3A_301, %parallel_loop3A_303 : vector<16xi32>
      %parallel_loop3A_305 = arith.select %parallel_loop3A_304, %parallel_loop3A_292, %broadcast_in_dim3A_1 : vector<16xi1>, vector<16xf32>
      %parallel_loop3A_306 = arith.constant 4 : i32
      %parallel_loop3A_307 = arith.constant 0 : i32
      %parallel_loop3A_308 = arith.constant 0 : i32
      %parallel_loop3A_309 = tpu.memref_slice %arg7[%parallel_loop3A_86, %parallel_loop3A_307, %parallel_loop3A_308] : memref<1x8x2048xf32, #tpu.memory_space<vmem>> -> memref<1x8x2048xf32, #tpu.memory_space<vmem>>
      %parallel_loop3A_310 = tpu.memref_squeeze %parallel_loop3A_309 : memref<1x8x2048xf32, #tpu.memory_space<vmem>> -> memref<8x2048xf32, #tpu.memory_space<vmem>>
      %parallel_loop3A_311 = arith.index_cast %parallel_loop3A_306 : i32 to index
      %parallel_loop3A_312 = arith.index_cast %parallel_loop3A_155 : i32 to index
      %parallel_loop3A_313 = tpu.vector_load %parallel_loop3A_310[%parallel_loop3A_311, %parallel_loop3A_312] {strides = array<i32>} : memref<8x2048xf32, #tpu.memory_space<vmem>>, vector<1x16xf32>,
      %parallel_loop3A_314 = vector.shape_cast %parallel_loop3A_313 : vector<1x16xf32> to vector<16xf32>
      %parallel_loop3A_315 = vector.shape_cast %parallel_loop3A_305 : vector<16xf32> to vector<1x16xf32>
      tpu.vector_store %parallel_loop3A_310[%parallel_loop3A_311, %parallel_loop3A_312], %parallel_loop3A_315 {strides = array<i32>} : memref<8x2048xf32, #tpu.memory_space<vmem>>, vector<1x16xf32>,
      %parallel_loop3A_316 = arith.constant 5 : i32
      %parallel_loop3A_317 = arith.constant 0 : i32
      %parallel_loop3A_318 = arith.constant 0 : i32
      %parallel_loop3A_319 = tpu.memref_slice %arg5[%parallel_loop3A_84, %parallel_loop3A_317, %parallel_loop3A_318] : memref<1x8x2048xf32, #tpu.memory_space<vmem>> -> memref<1x8x2048xf32, #tpu.memory_space<vmem>>
      %parallel_loop3A_320 = tpu.memref_squeeze %parallel_loop3A_319 : memref<1x8x2048xf32, #tpu.memory_space<vmem>> -> memref<8x2048xf32, #tpu.memory_space<vmem>>
      %parallel_loop3A_321 = arith.index_cast %parallel_loop3A_316 : i32 to index
      %parallel_loop3A_322 = arith.index_cast %parallel_loop3A_155 : i32 to index
      %parallel_loop3A_323 = tpu.vector_load %parallel_loop3A_320[%parallel_loop3A_321, %parallel_loop3A_322] {strides = array<i32>} : memref<8x2048xf32, #tpu.memory_space<vmem>>, vector<1x16xf32>,
      %parallel_loop3A_324 = vector.shape_cast %parallel_loop3A_323 : vector<1x16xf32> to vector<16xf32>
      %parallel_loop3A_325 = arith.constant 5 : i32
      %parallel_loop3A_326 = arith.constant 0 : i32
      %parallel_loop3A_327 = arith.constant 0 : i32
      %parallel_loop3A_328 = tpu.memref_slice %arg6[%parallel_loop3A_85, %parallel_loop3A_326, %parallel_loop3A_327] : memref<1x8x2048xi32, #tpu.memory_space<vmem>> -> memref<1x8x2048xi32, #tpu.memory_space<vmem>>
      %parallel_loop3A_329 = tpu.memref_squeeze %parallel_loop3A_328 : memref<1x8x2048xi32, #tpu.memory_space<vmem>> -> memref<8x2048xi32, #tpu.memory_space<vmem>>
      %parallel_loop3A_330 = arith.index_cast %parallel_loop3A_325 : i32 to index
      %parallel_loop3A_331 = arith.index_cast %parallel_loop3A_155 : i32 to index
      %parallel_loop3A_332 = tpu.vector_load %parallel_loop3A_329[%parallel_loop3A_330, %parallel_loop3A_331] {strides = array<i32>} : memref<8x2048xi32, #tpu.memory_space<vmem>>, vector<1x16xi32>,
      %parallel_loop3A_333 = vector.shape_cast %parallel_loop3A_332 : vector<1x16xi32> to vector<16xi32>
      %parallel_loop3A_334 = arith.constant 1 : i32
      %parallel_loop3A_335 = vector.broadcast %parallel_loop3A_334 : i32 to vector<16xi32>
      %parallel_loop3A_336 = arith.cmpi eq, %parallel_loop3A_333, %parallel_loop3A_335 : vector<16xi32>
      %parallel_loop3A_337 = arith.select %parallel_loop3A_336, %parallel_loop3A_324, %broadcast_in_dim3A_1 : vector<16xi1>, vector<16xf32>
      %parallel_loop3A_338 = arith.constant 5 : i32
      %parallel_loop3A_339 = arith.constant 0 : i32
      %parallel_loop3A_340 = arith.constant 0 : i32
      %parallel_loop3A_341 = tpu.memref_slice %arg7[%parallel_loop3A_86, %parallel_loop3A_339, %parallel_loop3A_340] : memref<1x8x2048xf32, #tpu.memory_space<vmem>> -> memref<1x8x2048xf32, #tpu.memory_space<vmem>>
      %parallel_loop3A_342 = tpu.memref_squeeze %parallel_loop3A_341 : memref<1x8x2048xf32, #tpu.memory_space<vmem>> -> memref<8x2048xf32, #tpu.memory_space<vmem>>
      %parallel_loop3A_343 = arith.index_cast %parallel_loop3A_338 : i32 to index
      %parallel_loop3A_344 = arith.index_cast %parallel_loop3A_155 : i32 to index
      %parallel_loop3A_345 = tpu.vector_load %parallel_loop3A_342[%parallel_loop3A_343, %parallel_loop3A_344] {strides = array<i32>} : memref<8x2048xf32, #tpu.memory_space<vmem>>, vector<1x16xf32>,
      %parallel_loop3A_346 = vector.shape_cast %parallel_loop3A_345 : vector<1x16xf32> to vector<16xf32>
      %parallel_loop3A_347 = vector.shape_cast %parallel_loop3A_337 : vector<16xf32> to vector<1x16xf32>
      tpu.vector_store %parallel_loop3A_342[%parallel_loop3A_343, %parallel_loop3A_344], %parallel_loop3A_347 {strides = array<i32>} : memref<8x2048xf32, #tpu.memory_space<vmem>>, vector<1x16xf32>,
      %parallel_loop3A_348 = arith.constant 6 : i32
      %parallel_loop3A_349 = arith.constant 0 : i32
      %parallel_loop3A_350 = arith.constant 0 : i32
      %parallel_loop3A_351 = tpu.memref_slice %arg5[%parallel_loop3A_84, %parallel_loop3A_349, %parallel_loop3A_350] : memref<1x8x2048xf32, #tpu.memory_space<vmem>> -> memref<1x8x2048xf32, #tpu.memory_space<vmem>>
      %parallel_loop3A_352 = tpu.memref_squeeze %parallel_loop3A_351 : memref<1x8x2048xf32, #tpu.memory_space<vmem>> -> memref<8x2048xf32, #tpu.memory_space<vmem>>
      %parallel_loop3A_353 = arith.index_cast %parallel_loop3A_348 : i32 to index
      %parallel_loop3A_354 = arith.index_cast %parallel_loop3A_155 : i32 to index
      %parallel_loop3A_355 = tpu.vector_load %parallel_loop3A_352[%parallel_loop3A_353, %parallel_loop3A_354] {strides = array<i32>} : memref<8x2048xf32, #tpu.memory_space<vmem>>, vector<1x16xf32>,
      %parallel_loop3A_356 = vector.shape_cast %parallel_loop3A_355 : vector<1x16xf32> to vector<16xf32>
      %parallel_loop3A_357 = arith.constant 6 : i32
      %parallel_loop3A_358 = arith.constant 0 : i32
      %parallel_loop3A_359 = arith.constant 0 : i32
      %parallel_loop3A_360 = tpu.memref_slice %arg6[%parallel_loop3A_85, %parallel_loop3A_358, %parallel_loop3A_359] : memref<1x8x2048xi32, #tpu.memory_space<vmem>> -> memref<1x8x2048xi32, #tpu.memory_space<vmem>>
      %parallel_loop3A_361 = tpu.memref_squeeze %parallel_loop3A_360 : memref<1x8x2048xi32, #tpu.memory_space<vmem>> -> memref<8x2048xi32, #tpu.memory_space<vmem>>
      %parallel_loop3A_362 = arith.index_cast %parallel_loop3A_357 : i32 to index
      %parallel_loop3A_363 = arith.index_cast %parallel_loop3A_155 : i32 to index
      %parallel_loop3A_364 = tpu.vector_load %parallel_loop3A_361[%parallel_loop3A_362, %parallel_loop3A_363] {strides = array<i32>} : memref<8x2048xi32, #tpu.memory_space<vmem>>, vector<1x16xi32>,
      %parallel_loop3A_365 = vector.shape_cast %parallel_loop3A_364 : vector<1x16xi32> to vector<16xi32>
      %parallel_loop3A_366 = arith.constant 1 : i32
      %parallel_loop3A_367 = vector.broadcast %parallel_loop3A_366 : i32 to vector<16xi32>
      %parallel_loop3A_368 = arith.cmpi eq, %parallel_loop3A_365, %parallel_loop3A_367 : vector<16xi32>
      %parallel_loop3A_369 = arith.select %parallel_loop3A_368, %parallel_loop3A_356, %broadcast_in_dim3A_1 : vector<16xi1>, vector<16xf32>
      %parallel_loop3A_370 = arith.constant 6 : i32
      %parallel_loop3A_371 = arith.constant 0 : i32
      %parallel_loop3A_372 = arith.constant 0 : i32
      %parallel_loop3A_373 = tpu.memref_slice %arg7[%parallel_loop3A_86, %parallel_loop3A_371, %parallel_loop3A_372] : memref<1x8x2048xf32, #tpu.memory_space<vmem>> -> memref<1x8x2048xf32, #tpu.memory_space<vmem>>
      %parallel_loop3A_374 = tpu.memref_squeeze %parallel_loop3A_373 : memref<1x8x2048xf32, #tpu.memory_space<vmem>> -> memref<8x2048xf32, #tpu.memory_space<vmem>>
      %parallel_loop3A_375 = arith.index_cast %parallel_loop3A_370 : i32 to index
      %parallel_loop3A_376 = arith.index_cast %parallel_loop3A_155 : i32 to index
      %parallel_loop3A_377 = tpu.vector_load %parallel_loop3A_374[%parallel_loop3A_375, %parallel_loop3A_376] {strides = array<i32>} : memref<8x2048xf32, #tpu.memory_space<vmem>>, vector<1x16xf32>,
      %parallel_loop3A_378 = vector.shape_cast %parallel_loop3A_377 : vector<1x16xf32> to vector<16xf32>
      %parallel_loop3A_379 = vector.shape_cast %parallel_loop3A_369 : vector<16xf32> to vector<1x16xf32>
      tpu.vector_store %parallel_loop3A_374[%parallel_loop3A_375, %parallel_loop3A_376], %parallel_loop3A_379 {strides = array<i32>} : memref<8x2048xf32, #tpu.memory_space<vmem>>, vector<1x16xf32>,
      %parallel_loop3A_380 = arith.constant 7 : i32
      %parallel_loop3A_381 = arith.constant 0 : i32
      %parallel_loop3A_382 = arith.constant 0 : i32
      %parallel_loop3A_383 = tpu.memref_slice %arg5[%parallel_loop3A_84, %parallel_loop3A_381, %parallel_loop3A_382] : memref<1x8x2048xf32, #tpu.memory_space<vmem>> -> memref<1x8x2048xf32, #tpu.memory_space<vmem>>
      %parallel_loop3A_384 = tpu.memref_squeeze %parallel_loop3A_383 : memref<1x8x2048xf32, #tpu.memory_space<vmem>> -> memref<8x2048xf32, #tpu.memory_space<vmem>>
      %parallel_loop3A_385 = arith.index_cast %parallel_loop3A_380 : i32 to index
      %parallel_loop3A_386 = arith.index_cast %parallel_loop3A_155 : i32 to index
      %parallel_loop3A_387 = tpu.vector_load %parallel_loop3A_384[%parallel_loop3A_385, %parallel_loop3A_386] {strides = array<i32>} : memref<8x2048xf32, #tpu.memory_space<vmem>>, vector<1x16xf32>,
      %parallel_loop3A_388 = vector.shape_cast %parallel_loop3A_387 : vector<1x16xf32> to vector<16xf32>
      %parallel_loop3A_389 = arith.constant 7 : i32
      %parallel_loop3A_390 = arith.constant 0 : i32
      %parallel_loop3A_391 = arith.constant 0 : i32
      %parallel_loop3A_392 = tpu.memref_slice %arg6[%parallel_loop3A_85, %parallel_loop3A_390, %parallel_loop3A_391] : memref<1x8x2048xi32, #tpu.memory_space<vmem>> -> memref<1x8x2048xi32, #tpu.memory_space<vmem>>
      %parallel_loop3A_393 = tpu.memref_squeeze %parallel_loop3A_392 : memref<1x8x2048xi32, #tpu.memory_space<vmem>> -> memref<8x2048xi32, #tpu.memory_space<vmem>>
      %parallel_loop3A_394 = arith.index_cast %parallel_loop3A_389 : i32 to index
      %parallel_loop3A_395 = arith.index_cast %parallel_loop3A_155 : i32 to index
      %parallel_loop3A_396 = tpu.vector_load %parallel_loop3A_393[%parallel_loop3A_394, %parallel_loop3A_395] {strides = array<i32>} : memref<8x2048xi32, #tpu.memory_space<vmem>>, vector<1x16xi32>,
      %parallel_loop3A_397 = vector.shape_cast %parallel_loop3A_396 : vector<1x16xi32> to vector<16xi32>
      %parallel_loop3A_398 = arith.constant 1 : i32
      %parallel_loop3A_399 = vector.broadcast %parallel_loop3A_398 : i32 to vector<16xi32>
      %parallel_loop3A_400 = arith.cmpi eq, %parallel_loop3A_397, %parallel_loop3A_399 : vector<16xi32>
      %parallel_loop3A_401 = arith.select %parallel_loop3A_400, %parallel_loop3A_388, %broadcast_in_dim3A_1 : vector<16xi1>, vector<16xf32>
      %parallel_loop3A_402 = arith.constant 7 : i32
      %parallel_loop3A_403 = arith.constant 0 : i32
      %parallel_loop3A_404 = arith.constant 0 : i32
      %parallel_loop3A_405 = tpu.memref_slice %arg7[%parallel_loop3A_86, %parallel_loop3A_403, %parallel_loop3A_404] : memref<1x8x2048xf32, #tpu.memory_space<vmem>> -> memref<1x8x2048xf32, #tpu.memory_space<vmem>>
      %parallel_loop3A_406 = tpu.memref_squeeze %parallel_loop3A_405 : memref<1x8x2048xf32, #tpu.memory_space<vmem>> -> memref<8x2048xf32, #tpu.memory_space<vmem>>
      %parallel_loop3A_407 = arith.index_cast %parallel_loop3A_402 : i32 to index
      %parallel_loop3A_408 = arith.index_cast %parallel_loop3A_155 : i32 to index
      %parallel_loop3A_409 = tpu.vector_load %parallel_loop3A_406[%parallel_loop3A_407, %parallel_loop3A_408] {strides = array<i32>} : memref<8x2048xf32, #tpu.memory_space<vmem>>, vector<1x16xf32>,
      %parallel_loop3A_410 = vector.shape_cast %parallel_loop3A_409 : vector<1x16xf32> to vector<16xf32>
      %parallel_loop3A_411 = vector.shape_cast %parallel_loop3A_401 : vector<16xf32> to vector<1x16xf32>
      tpu.vector_store %parallel_loop3A_406[%parallel_loop3A_407, %parallel_loop3A_408], %parallel_loop3A_411 {strides = array<i32>} : memref<8x2048xf32, #tpu.memory_space<vmem>>, vector<1x16xf32>,
    } {sc.loop_unroll_factor = 2 : i64, sc.parallel_access}
    %add3A_87 = arith.constant 0 : i32
    %add3A_88 = arith.addi %add3A, %add3A_87 : i32
    %jit3A_89 = arith.constant 2 : i32
    %div3A_90 = arith.divsi %add3A_88, %jit3A_89 : i32
    %sign3A_91 = arith.constant 0 : i32
    %sign3A_92 = arith.cmpi sgt, %add3A_88, %sign3A_91 : i32
    %sign3A_93 = arith.extui %sign3A_92 : i1 to i32
    %sign3A_94 = arith.constant 0 : i32
    %sign3A_95 = arith.cmpi slt, %add3A_88, %sign3A_94 : i32
    %sign3A_96 = arith.extui %sign3A_95 : i1 to i32
    %sign3A_97 = arith.subi %sign3A_93, %sign3A_96 : i32
    %sign3A_98 = arith.constant 0 : i32
    %sign3A_99 = arith.cmpi sgt, %jit3A_89, %sign3A_98 : i32
    %sign3A_100 = arith.extui %sign3A_99 : i1 to i32
    %sign3A_101 = arith.constant 0 : i32
    %sign3A_102 = arith.cmpi slt, %jit3A_89, %sign3A_101 : i32
    %sign3A_103 = arith.extui %sign3A_102 : i1 to i32
    %sign3A_104 = arith.subi %sign3A_100, %sign3A_103 : i32
    %ne3A_105 = arith.cmpi ne, %sign3A_97, %sign3A_104 : i32
    %rem3A_106 = arith.remsi %add3A_88, %jit3A_89 : i32
    %ne3A_107 = arith.constant 0 : i32
    %ne3A_108 = arith.cmpi ne, %rem3A_106, %ne3A_107 : i32
    %and3A_109 = arith.andi %ne3A_105, %ne3A_108 : i1
    %sub3A_110 = arith.constant 1 : i32
    %sub3A_111 = arith.subi %div3A_90, %sub3A_110 : i32
    %select_n3A_112 = arith.select %and3A_109, %sub3A_111, %div3A_90 : i32
    %mul3A_113 = arith.constant 8 : i32
    %mul3A_114 = arith.muli %select_n3A_112, %mul3A_113 : i32
    %jit3A_115 = arith.constant 2 : i32
    %eq3A_116 = arith.constant 0 : i32
    %eq3A_117 = arith.cmpi eq, %jit3A_115, %eq3A_116 : i32
    %jit3A_118 = arith.constant 1 : i32
    %select_n3A_119 = arith.select %eq3A_117, %jit3A_118, %jit3A_115 : i32
    %rem3A_120 = arith.remsi %add3A_88, %select_n3A_119 : i32
    %ne3A_121 = arith.constant 0 : i32
    %ne3A_122 = arith.cmpi ne, %rem3A_120, %ne3A_121 : i32
    %lt3A_123 = arith.constant 0 : i32
    %lt3A_124 = arith.cmpi slt, %rem3A_120, %lt3A_123 : i32
    %lt3A_125 = arith.constant 0 : i32
    %lt3A_126 = arith.cmpi slt, %select_n3A_119, %lt3A_125 : i32
    %ne3A_127 = arith.xori %lt3A_124, %lt3A_126 : i1
    %and3A_128 = arith.andi %ne3A_127, %ne3A_122 : i1
    %add3A_129 = arith.addi %rem3A_120, %select_n3A_119 : i32
    %select_n3A_130 = arith.select %and3A_128, %add3A_129, %rem3A_120 : i32
    %mul3A_131 = arith.constant 2048 : i32
    %mul3A_132 = arith.muli %select_n3A_130, %mul3A_131 : i32
    %dma_start3A_133 = arith.constant 0 : i32
    %dma_start3A_134 = arith.constant 0 : i32
    %dma_start3A_135 = arith.constant 0 : i32
    %dma_start3A_136 = tpu.memref_slice %arg7[%dma_start3A_133, %dma_start3A_134, %dma_start3A_135] : memref<1x8x2048xf32, #tpu.memory_space<vmem>> -> memref<1x8x2048xf32, #tpu.memory_space<vmem>>
    %dma_start3A_137 = tpu.memref_squeeze %dma_start3A_136 : memref<1x8x2048xf32, #tpu.memory_space<vmem>> -> memref<8x2048xf32, #tpu.memory_space<vmem>>
    %dma_start3A_138 = tpu.memref_slice %arg4[%mul3A_114, %mul3A_132] : memref<128x4096xf32, #tpu.memory_space<hbm>> -> memref<8x2048xf32, #tpu.memory_space<hbm>>
    %dma_start3A_139 = tpu.memref_slice %arg4[%mul3A_114, %mul3A_132] : memref<128x4096xf32, #tpu.memory_space<hbm>> -> memref<8x2048xf32, #tpu.memory_space<hbm>>
    %dma_start3A_140 = arith.constant 0 : i32
    %dma_start3A_141 = arith.constant 0 : i32
    %dma_start3A_142 = tpu.memref_slice %arg7[%dma_start3A_133, %dma_start3A_140, %dma_start3A_141] : memref<1x8x2048xf32, #tpu.memory_space<vmem>> -> memref<1x8x2048xf32, #tpu.memory_space<vmem>>
    %dma_start3A_143 = tpu.memref_squeeze %dma_start3A_142 : memref<1x8x2048xf32, #tpu.memory_space<vmem>> -> memref<8x2048xf32, #tpu.memory_space<vmem>>
    tpu.enqueue_dma source(%dma_start3A_143 : memref<8x2048xf32, #tpu.memory_space<vmem>>) target(%dma_start3A_139 : memref<8x2048xf32, #tpu.memory_space<hbm>>) target_semaphore(%arg10 : memref<!tpu.dma_semaphore, #tpu.memory_space<semaphore_mem>>)
    %dma_wait3A_144 = arith.constant 0 : i32
    %dma_wait3A_145 = arith.constant 0 : i32
    %dma_wait3A_146 = arith.constant 0 : i32
    %dma_wait3A_147 = tpu.memref_slice %arg7[%dma_wait3A_144, %dma_wait3A_145, %dma_wait3A_146] : memref<1x8x2048xf32, #tpu.memory_space<vmem>> -> memref<1x8x2048xf32, #tpu.memory_space<vmem>>
    %dma_wait3A_148 = tpu.memref_squeeze %dma_wait3A_147 : memref<1x8x2048xf32, #tpu.memory_space<vmem>> -> memref<8x2048xf32, #tpu.memory_space<vmem>>
    %dma_wait3A_149 = tpu.memref_slice %arg4[%mul3A_114, %mul3A_132] : memref<128x4096xf32, #tpu.memory_space<hbm>> -> memref<8x2048xf32, #tpu.memory_space<hbm>>
    %dma_wait3A_150 = tpu.memref_slice %arg4[%mul3A_114, %mul3A_132] : memref<128x4096xf32, #tpu.memory_space<hbm>> -> memref<8x2048xf32, #tpu.memory_space<hbm>>
    %dma_wait3A_151 = arith.constant 0 : i32
    %dma_wait3A_152 = arith.constant 0 : i32
    %dma_wait3A_153 = tpu.memref_slice %arg7[%dma_wait3A_144, %dma_wait3A_151, %dma_wait3A_152] : memref<1x8x2048xf32, #tpu.memory_space<vmem>> -> memref<1x8x2048xf32, #tpu.memory_space<vmem>>
    %dma_wait3A_154 = tpu.memref_squeeze %dma_wait3A_153 : memref<1x8x2048xf32, #tpu.memory_space<vmem>> -> memref<8x2048xf32, #tpu.memory_space<vmem>>
    tpu.wait_dma2 semaphore(%arg10 : memref<!tpu.dma_semaphore, #tpu.memory_space<semaphore_mem>>) src(%dma_wait3A_154 : memref<8x2048xf32, #tpu.memory_space<vmem>>) dst(%dma_wait3A_150 : memref<8x2048xf32, #tpu.memory_space<hbm>>)
    return
  }
}

module attributes {stable_mosaic.version = 14 : i64} {
  func.func @_tc_body(%arg0: i32, %arg1: memref<320x4096xf32, #tpu.memory_space<vmem>>, %arg2: memref<320x4096xi32, #tpu.memory_space<vmem>>, %arg3: memref<320x4096xf32, #tpu.memory_space<vmem>>) attributes {dimension_semantics = [#tpu.dimension_semantics<arbitrary>], iteration_bounds = array<i64: 6>, scalar_prefetch = 0 : i64, scratch_operands = 0 : i64, tpu.core_type = #tpu.core_type<tc>, window_params = [{transform_indices = @transform_0, window_bounds = array<i64: 320, 4096>}, {transform_indices = @transform_1, window_bounds = array<i64: 320, 4096>}, {transform_indices = @transform_2, window_bounds = array<i64: 320, 4096>}]} {
    %get3A = arith.constant 0 : index
    %get3A_0 = arith.constant 0 : index
    %get3A_1 = vector.load %arg2[%get3A, %get3A_0] : memref<320x4096xi32, #tpu.memory_space<vmem>>, vector<320x4096xi32>
    %eq3A = arith.constant 1 : i32
    %eq3A_2 = vector.broadcast %eq3A : i32 to vector<320x4096xi32>
    %eq3A_3 = arith.cmpi eq, %get3A_1, %eq3A_2 : vector<320x4096xi32>
    %get3A_4 = arith.constant 0 : index
    %get3A_5 = arith.constant 0 : index
    %get3A_6 = vector.load %arg1[%get3A_4, %get3A_5] : memref<320x4096xf32, #tpu.memory_space<vmem>>, vector<320x4096xf32>
    %jit3A = arith.constant 0.000000e+00 : f32
    %broadcast_in_dim3A = vector.broadcast %jit3A : f32 to vector<320x4096xf32>
    %select_n3A = arith.select %eq3A_3, %get3A_6, %broadcast_in_dim3A : vector<320x4096xi1>, vector<320x4096xf32>
    %swap3A = arith.constant 0 : index
    %swap3A_7 = arith.constant 0 : index
    %swap3A_8 = vector.load %arg3[%swap3A, %swap3A_7] : memref<320x4096xf32, #tpu.memory_space<vmem>>, vector<320x4096xf32>
    tpu.vector_store %arg3[%swap3A, %swap3A_7], %select_n3A {strides = array<i32>} : memref<320x4096xf32, #tpu.memory_space<vmem>>, vector<320x4096xf32>,
    return
  }
  func.func @transform_0(%arg0: i32) -> (i32, i32) {
    %c0_i32 = arith.constant 0 : i32
    %c0_i32_0 = arith.constant 0 : i32
    return %arg0, %c0_i32 : i32, i32
  }
  func.func @transform_1(%arg0: i32) -> (i32, i32) {
    %c0_i32 = arith.constant 0 : i32
    %c0_i32_0 = arith.constant 0 : i32
    return %arg0, %c0_i32 : i32, i32
  }
  func.func @transform_2(%arg0: i32) -> (i32, i32) {
    %c0_i32 = arith.constant 0 : i32
    %c0_i32_0 = arith.constant 0 : i32
    return %arg0, %c0_i32 : i32, i32
  }
}

</mosaic_0001>

<sc_bundles>
// kernel: kernel.4.cloned.1.call-start
scs
__scs_entry_jumppad:
0x0: {  	(pc) =	sbr.rel $0x88, $3  }
0x1: {  	(tag) =	ssettag $0x0;
	lr =	simm.s32 $0x1  }
0x2: {  	[smem:$0x3F9F] =	sst lr;
	_ =	strace $0xD0000000  }
0x3: {  	_ = 	snop  }
0x4: {  	_ = 	snop  }
0x5: {  	_ = 	snop  }
0x6: {  	_ = 	snop  }
0x7: {  	_ = 	snop  }
__scs_overlays_trampoline_lowered:
0x8: {  	[smem:$0x3FAE] =	sst s0  }
0x9: {  	[smem:$0x3FAF] =	sst s1  }
0xa: {  	[smem:$0x3FB0] =	sst s2  }
0xb: {  	[smem:$0x3FB1] =	sst s3  }
0xc: {  	[smem:$0x3FB2] =	sst s4  }
0xd: {  	[smem:$0x3FB3] =	sst s5  }
0xe: {  	[smem:$0x3FB4] =	sst s6  }
0xf: {  	[smem:$0x3FB5] =	sst s7  }
0x10: {  	[smem:$0x3FB6] =	sst s8  }
0x11: {  	[smem:$0x3FB7] =	sst s9;
	s0 =	simm.s32 @!p0 $0x0  }
0x12: {  	s1 =	sld [smem:$0x3F9D];
	s0 =	simm.s32 @p0 $0x1  }
0x13: {  	[smem:$0x3FB8] =	sst s0;
	s0 =	simm.s32 @!p1 $0x0  }
0x14: {  	s2 =	sld [smem:$0x3F9C];
	s0 =	simm.s32 @p1 $0x1  }
0x15: {  	[smem:$0x3FB9] =	sst s0;
	s0 =	simm.s32 @!p2 $0x0  }
0x16: {  	s3 =	sld [smem:$0x3FDB];
	s0 =	simm.s32 @p2 $0x1  }
0x17: {  	s4 =	simm.s32 $0x1BF5;
	[smem:$0x3FBB] =	sst s0  }
0x18: {  	s0 =	sld [smem:$0x3F9E];
	_ =	swait.ge [sflag:s4], $0x0  }
0x19: {  	s7 =	sld [smem:$0x3F9F]  }
0x1a: {  	s8 =	sadd.s32 $0xFFFFE003, lr  }
0x1b: {  	s9 =	sadd.s32 $0xFFFFFEF7, lr;
	s5 =	simm.s32 $0xFFFFFFFF;
	p2 =	slt.u32 s8, $0xFFFFF086  }
0x1c: {  	p1 =	slt.u32 s9, $0xF7A;
	s5 =	simm.s32 @!p2 $0x0  }
0x1d: {  	s5 =	simm.s32 @p1 $0x1;
	p0 =	seq.s32 s7, s2  }
0x1e: {  	s7 =	smul.u32 @!p0 $0xF7A, s2;
	p2 =	seq.s32 @!p0 s5, $0x0  }
0x1f: {  	s9 =	smul.u32 $0xF7A, s1;
	s8 =	simm.s32 @!p0 $0x1BF5;
	p2 =	por !p2, p0  }
0x20: {  	[sflag:s8] =	ssyncset.s32 @!p0 $0xFFFFF086;
	s6 =	sadd.s32 @!p0 s3, s7;
	s7 =	simm.s32 @!p0 $0x108  }
0x21: {  	s3 =	sadd.s32 s3, s9;
	s6 =	sadd.s32 @!p0 $0x88, s6;
	s7 =	simm.s32 @p2 $0x1082  }
0x22: {  	[simem:s7], [sflag:s8] =	dma.local @!p0 [hbm:s6], $0xF7A  }
0x23: {  	s9 =	sor.u32 $0xD0000000, s2;
	s6 =	simm.s32 $0x108;
	_ =	swait.ge @!p0 [sflag:s8], $0x0  }
0x24: {  	s3 =	sadd.s32 $0x88, s3;
	s6 =	simm.s32 @!p1 $0x1082;
	[sflag:s4] =	ssyncset.s32 $0xFFFFF086  }
0x25: {  	[simem:s6], [sflag:s4] =	dma.local [hbm:s3], $0xF7A  }
0x26: {  	[smem:$0x3F9F] =	sst s1;
	(tag) =	ssettag s2;
	_ =	strace s9  }
0x27: {  	s1 =	sld [smem:$0x3FAF]  }
0x28: {  	s2 =	sld [smem:$0x3FB0]  }
0x29: {  	s4 =	sld [smem:$0x3FB2]  }
0x2a: {  	p0 =	seq.s32 s5, $0x0;
	s5 =	sld [smem:$0x3FB3]  }
0x2b: {  	s6 =	sld [smem:$0x3FB4]  }
0x2c: {  	s7 =	sld [smem:$0x3FB5]  }
0x2d: {  	s3 =	simm.s32 $0x108;
	s8 =	sld [smem:$0x3FB6]  }
0x2e: {  	s3 =	simm.s32 @!p0 $0x1082;
	s9 =	sld [smem:$0x3FB7]  }
0x2f: {  	lr =	sadd.s32 s0, s3;
	s0 =	sld [smem:$0x3FAE]  }
0x30: {  	s3 =	sld [smem:$0x3FB1]  }
0x31: {  	[smem:$0x3FBA] =	sst s10  }
0x32: {  	s10 =	sld [smem:$0x3FB8];
	_ =	sdelay $0x3  }
0x33: {  	p0 =	seq.s32 s10, $0x1;
	s10 =	sld [smem:$0x3FBA];
	_ =	sdelay $0x3  }
0x34: {  	[smem:$0x3FBA] =	sst s10  }
0x35: {  	s10 =	sld [smem:$0x3FB9];
	_ =	sdelay $0x3  }
0x36: {  	p1 =	seq.s32 s10, $0x1;
	s10 =	sld [smem:$0x3FBA];
	_ =	sdelay $0x3  }
0x37: {  	[smem:$0x3FBA] =	sst s10  }
0x38: {  	s10 =	sld [smem:$0x3FBB]  }
0x39: {  	_ = 	snop;
	(pc) =	sbr.ind lr, $3  }
0x3a: {  	_ = 	snop  }
0x3b: {  	_ = 	snop  }
0x3c: {  	p2 =	seq.s32 s10, $0x1;
	s10 =	sld [smem:$0x3FBA]  }
0x3d: {  	_ =	shalt  }
0x3e: {  	_ =	shalt  }
0x3f: {  	_ =	shalt  }
0x40: {  	_ =	shalt  }
0x41: {  	_ =	shalt  }
0x42: {  	_ =	shalt  }
0x43: {  	_ =	shalt  }
0x44: {  	_ =	shalt  }
0x45: {  	_ =	shalt  }
0x46: {  	_ =	shalt  }
0x47: {  	_ =	shalt  }
0x48: {  	_ =	shalt  }
0x49: {  	_ =	shalt  }
0x4a: {  	_ =	shalt  }
0x4b: {  	_ =	shalt  }
0x4c: {  	_ =	shalt  }
0x4d: {  	_ =	shalt  }
0x4e: {  	_ =	shalt  }
0x4f: {  	_ =	shalt  }
0x50: {  	_ =	shalt  }
0x51: {  	_ =	shalt  }
0x52: {  	_ =	shalt  }
0x53: {  	_ =	shalt  }
0x54: {  	_ =	shalt  }
0x55: {  	_ =	shalt  }
0x56: {  	_ =	shalt  }
0x57: {  	_ =	shalt  }
0x58: {  	_ =	shalt  }
0x59: {  	_ =	shalt  }
0x5a: {  	_ =	shalt  }
0x5b: {  	_ =	shalt  }
0x5c: {  	_ =	shalt  }
0x5d: {  	_ =	shalt  }
0x5e: {  	_ =	shalt  }
0x5f: {  	_ =	shalt  }
0x60: {  	_ =	shalt  }
0x61: {  	_ =	shalt  }
0x62: {  	_ =	shalt  }
0x63: {  	_ =	shalt  }
0x64: {  	_ =	shalt  }
0x65: {  	_ =	shalt  }
0x66: {  	_ =	shalt  }
0x67: {  	_ =	shalt  }
0x68: {  	_ =	shalt  }
0x69: {  	_ =	shalt  }
0x6a: {  	_ =	shalt  }
0x6b: {  	_ =	shalt  }
0x6c: {  	_ =	shalt  }
0x6d: {  	_ =	shalt  }
0x6e: {  	_ =	shalt  }
0x6f: {  	_ =	shalt  }
0x70: {  	_ =	shalt  }
0x71: {  	_ =	shalt  }
0x72: {  	_ =	shalt  }
0x73: {  	_ =	shalt  }
0x74: {  	_ =	shalt  }
0x75: {  	_ =	shalt  }
0x76: {  	_ =	shalt  }
0x77: {  	_ =	shalt  }
0x78: {  	_ =	shalt  }
0x79: {  	_ =	shalt  }
0x7a: {  	_ =	shalt  }
0x7b: {  	_ =	shalt  }
0x7c: {  	_ =	shalt  }
0x7d: {  	_ =	shalt  }
0x7e: {  	_ =	shalt  }
0x7f: {  	_ =	shalt  }
0x80: {  	_ =	shalt  }
0x81: {  	_ =	shalt  }
0x82: {  	_ =	shalt  }
0x83: {  	_ =	shalt  }
0x84: {  	_ =	shalt  }
0x85: {  	_ =	shalt  }
0x86: {  	_ =	shalt  }
0x87: {  	_ =	shalt  }
.Lfunc_end0:
.L_simem_size_0:
called_computation_lowered:
.L_overlay_start_0:
0x88: {  	s2 =	sld [smem:$0x3FD9]  }
0x89: {  	s3 =	sld [smem:$0x3FFE];
	_ =	sdelay $0x1  }
0x8a: {  	s1 =	srdreg.scid  }
0x8b: {  	s0 =	sand.u32 $0x1, s1  }
0x8c: {  	s17 =	sshll.u32 s0, $0xA;
	s2 =	sadd.s32 s3, s2  }
0x8d: {  	s2 =	sadd.s32 s2, s17  }
0x8e: {  	[smem:$0x3FC6] =	sst s2  }
0x8f: {  	_ = 	snop  }
0x90: {  	s2 =	sld [smem:$0x3FC9]  }
0x91: {  	s18 =	sld [smem:$0x3FC8];
	(tm) =	ssettm $0x1  }
0x92: {  	s4 =	sld [smem:$0x3FFB];
	_ =	sdelay $0x3  }
0x93: {  	_ =	strace s4  }
0x94: {  	s4 =	sld [smem:$0x3FFC];
	_ =	sdelay $0x3  }
0x95: {  	_ =	strace s4  }
0x96: {  	s4 =	sld [smem:$0x3FFD];
	_ =	sdelay $0x3  }
0x97: {  	_ =	strace s4  }
0x98: {  	_ =	strace $0x8FFFFFFF  }
0x99: {  	s19 =	sld [smem:$0x3FDB];
	_ =	sdelay $0x1  }
0x9a: {  	s5 =	simm.s32 $_scs_section_size  }
0x9b: {  	s6 =	simm.s32 $_size__tile_overlayer_lowered;
	s7 =	simm.s32 $_tile_overlayer_lowered  }
0x9c: {  	s22 =	simm.s32 $0x1BFF;
	s21 =	sshll.u32 s7, $0x1;
	s4 =	sadd.s32 s5, s19  }
0x9d: {  	s8 =	simm.s32 $0x0;
	s20 =	sshll.u32 s6, $0x1;
	s6 =	sadd.s32 s21, s4  }
0x9e: {  	[timem:s8], [sflag:s22] =	dma.local [hbm:s6], s20  }
0x9f: {  	_ =	swait.ge [sflag:s22], s20  }
0xa0: {  	s5 =	ssub.s32 $0x0, s20;
	[sflag:s22] =	ssyncset.done $0x0  }
0xa1: {  	[sflag:s22] =	ssyncadd.s32 s5;
	_ =	sdelay $0x1  }
0xa2: {  	s23 =	simm.s32 $0x1B8B  }
0xa3: {  	_ =	swait.ge [sflag:s23], $0x1  }
0xa4: {  	[sflag:s23] =	ssyncset.done $0x0  }
0xa5: {  	s25 =	simm.s32 $0x1B8E;
	s24 =	sld [smem:$0x3FFE];
	[sflag:s23] =	ssyncadd.s32 $0xFFFFFFFF  }
0xa6: {  	s26 =	simm.s32 $execute0_lowered;
	[smem:$0x3FD2] =	sst s25  }
0xa7: {  	s6 =	sshll.u32 s26, $0x1;
	_ =	strace $0x80000046;
	[dreg:$0x1] =	wrdreg $0xFFFFFFFF  }
0xa8: {  	s28 =	simm.s32 $_size_execute0_lowered;
	s4 =	sadd.s32 s4, s6;
	[dreg:$0x0] =	wrdreg $0x0  }
0xa9: {  	s6 =	sshll.u32 s28, $0x1;
	[dreg:$0x2] =	wrdreg s4  }
0xaa: {  	[dreg:$0x3] =	wrdreg s6  }
0xab: {  	[dreg:$0x4] =	wrdreg $0xC0  }
0xac: {  	_ =	task [dreg:s8], $0x5FFFF  }
0xad: {  	[dreg:$0x1] =	wrdreg $0xFFFFFFFF  }
0xae: {  	[dreg:$0x0] =	wrdreg $0x60  }
0xaf: {  	[dreg:$0x2] =	wrdreg s2  }
0xb0: {  	[dreg:$0x3] =	wrdreg s18  }
0xb1: {  	[dreg:$0x4] =	wrdreg s24  }
0xb2: {  	[dreg:$0x5] =	wrdreg $0x9  }
0xb3: {  	_ =	task.clear_ibuf [dreg:s8], $0x6FFFF;
	_ =	strace $0x90000046  }
0xb4: {  	s29 =	simm.s32 $0x9;
	_ =	strace $0x80000048  }
0xb5: {  	_ =	swait.ge [sflag:s29], $0x1  }
0xb6: {  	[sflag:s29] =	ssyncadd.s32 $0xFFFFFFFF  }
0xb7: {  	_ =	strace $0x90000048  }
0xb8: {  	_ =	sfence  }
0xb9: {  	s30 =	sld [smem:$0x0];
	_ =	sdelay $0x2  }
0xba: {  	s31 =	sshll.u32 s1, $0xD;
	s1 =	sshrl.u32 s1, $0x2  }
0xbb: {  	s3 =	sand.u32 $0x4000, s31;
	s1 =	sadd.s32 s1, s30  }
0xbc: {  	s0 =	sor.u32 s3, s0;
	s1 =	sshll.u32 s1, $0x11  }
0xbd: {  	s0 =	sor.u32 s1, s0  }
0xbe: {  	s0 =	sadd.s32 $0x8F2B, s0  }
0xbf: {  	[sflag:s0] =	ssyncadd.remote.s32 $0x1  }
0xc0: {  	_ =	sfence.sel $0xFFFF  }
0xc1: {  	[dreg:$0x0] =	wrdreg $0xFFFFFFFF;
	(pc) =	sbr.abs _section_cstart, $3  }
0xc2: {  	[dreg:$0x1] =	wrdreg $0xFFFFFFFF  }
0xc3: {  	_ =	task.clear_ibuf [dreg:s8], $0x2FFFF;
	_ =	strace $0x9FFFFFFF  }
0xc4: {  	(tm) =	ssettm $0x7FFFFFFF  }
0xc5: {  	_ =	shalt  }
tec
execute0_lowered:
.L_overlay_start_1:
0x0: {  	(tag) =	ssettag $0x1  }
0x1: {  	s1 =	srdreg.scid  }
0x2: {  	s0 =	stileid.u32;
	s4 =	sand.u32 $0x1, s1  }
0x3: {  	s5 =	rddreg [dreg:$0x0];
	s1 =	sor.u32 s4, s0  }
0x4: {  	s6 =	rddreg [dreg:$0x1];
	p1 =	seq.s32 s4, $0x1;
	p0 =	seq.s32 s1, $0x0  }
0x5: {  	s7 =	rddreg [dreg:$0x2];
	s3 =	simm.s32 $0x1;
	p0 =	por !p0, !p1  }
0x6: {  	s2 =	simm.s32 $0x0;
	s11 =	simm.s32 $0x3;
	p0 =	por !p0, !p0  }
0x7: {  	s12 =	simm.s32 $0x0;
	[smem:$0x7FF] =	sst s2;
	s3 =	simm.s32 @!p0 $0x0  }
0x8: {  	s8 =	sshll.u32 s4, $0xE;
	s4 =	ssub.s32 $0x2, s4;
	s3 =	ssub.s32 s0, s3  }
0x9: {  	s1 =	rddreg [dreg:$0x3];
	s10 =	sshrl.u32 s4, $0x1;
	s9 =	sshll.u32 s3, $0xF  }
0xa: {  	_ =	strace $0x80000047;
	s31 =	ssub.s32 s4, s10;
	s8 =	sor.u32 s8, s9  }
0xb: {  	s10 =	simm.s32 $0x8000;
	s9 =	sshrl.u32 s8, $0x3;
	s8 =	sadd.s32 $0x780000, s8  }
0xc: {  	s3 =	simm.s32 $0x1;
	s7 =	sadd.s32 s9, s7;
	s8 =	sshrl.u32 s8, $0x3  }
0xd: {  	s9 =	simm.s32 $0x2;
	s4 =	sadd.s32 s5, s8;
	s5 =	sadd.s32 s6, s8  }
0xe: {  	s6 =	sadd.s32 $0x400, s7;
	s7 =	smax.u32 s31, $0x1;
	s8 =	simm.s32 $0x4000  }
.LBB2_1:
0xf: {  	[tilespmem:s2], [sflag:$0x1] =	stream.linear.gather [hbm4b:s4+s2], $0x4000, $0x38;
	[tilespmem:$0xC000] =	vst v63  }
0x10: {  	_ = 	snop  }
0x11: {  	[tilespmem:s8], [sflag:$0x2] =	stream.linear.gather [hbm4b:s5+s2], $0x4000, $0x38;
	[tilespmem:$0xC000] =	vst v63  }
0x12: {  	_ =	swait.ge [sflag:s3], $0x4000  }
0x13: {  	[sflag:s3] =	ssyncset.done $0x0  }
0x14: {  	[sflag:s3] =	ssyncadd.s32 $0xFFFFC000  }
0x15: {  	s13 =	simm.s32 $0x0;
	_ =	swait.ge [sflag:s9], $0x4000  }
0x16: {  	s14 =	sand.u32 $0x3C00, s2;
	s13 =	sand.u32 $0x60, s13;
	[sflag:s9] =	ssyncset.done $0x0  }
0x17: {  	s13 =	sor.u32 s13, s14;
	[sflag:s9] =	ssyncadd.s32 $0xFFFFC000  }
0x18: {  	v0 =	vld [tilespmem:s13+$0x10]  }
0x19: {  	v1 =	vld [tilespmem:s13+$0x90]  }
0x1a: {  	v2 =	vld [tilespmem:s13+$0x110]  }
0x1b: {  	v3 =	vld [tilespmem:s13+$0x190]  }
0x1c: {  	v4 =	vld [tilespmem:s13+$0x210]  }
0x1d: {  	v5 =	vld [tilespmem:s13+$0x4010]  }
0x1e: {  	v6 =	vld [tilespmem:s13+$0x4090]  }
0x1f: {  	v7 =	vld [tilespmem:s13+$0x4110]  }
0x20: {  	v8 =	vld [tilespmem:s13+$0x4190]  }
0x21: {  	v9 =	vld [tilespmem:s13+$0x4210]  }
0x22: {  	vm0 =	veq.s32 v5, $0x1;
	v5 =	vld [tilespmem:s13+$0x4290]  }
0x23: {  	v0 =	vnsel vm0, $0x0, v0;
	vm0 =	veq.s32 v6, $0x1;
	v6 =	vld [tilespmem:s13+$0x290]  }
0x24: {  	v10 =	vld [tilespmem:s13+$0x4000];
	[tilespmem:s13+$0x8010] =	vst v0;
	v0 =	vnsel vm0, $0x0, v1;
	vm0 =	veq.s32 v7, $0x1  }
0x25: {  	s24 =	sand.u32 $0x3, s2;
	v31 =	vld [tilespmem:s13+$0x80];
	[tilespmem:s13+$0x8090] =	vst v0;
	v0 =	vnsel vm0, $0x0, v2;
	vm0 =	veq.s32 v8, $0x1  }
0x26: {  	s14 =	sshll.u32 s24, $0x5;
	v32 =	vld [tilespmem:s13+$0x100];
	[tilespmem:s13+$0x8110] =	vst v0;
	v0 =	vnsel vm0, $0x0, v3;
	vm0 =	veq.s32 v9, $0x1  }
0x27: {  	s17 =	sadd.s32 $0x0, s14;
	v11 =	vld [tilespmem:s13+$0x180];
	[tilespmem:s13+$0x8190] =	vst v0;
	v0 =	vnsel vm0, $0x0, v4;
	vm0 =	veq.s32 v5, $0x1  }
0x28: {  	s14 =	sadd.s32 $0x10, s17;
	v12 =	vld [tilespmem:s13+$0x280];
	[tilespmem:s13+$0x8210] =	vst v0;
	v0 =	vnsel vm0, $0x0, v6  }
0x29: {  	s15 =	sor.u32 $0x300, s14;
	v1 =	vld [tilespmem:s13+$0x4080];
	[tilespmem:s13+$0x8290] =	vst v0  }
0x2a: {  	v0 =	vld [tilespmem:s15+$0x4000]  }
0x2b: {  	v6 =	vld [tilespmem:s15+$0x0]  }
0x2c: {  	v7 =	vld [tilespmem:s13+$0x0]  }
0x2d: {  	v2 =	vld [tilespmem:s13+$0x4100]  }
0x2e: {  	v3 =	vld [tilespmem:s13+$0x4180]  }
0x2f: {  	v4 =	vld [tilespmem:s13+$0x4200];
	vm0 =	veq.s32 v0, $0x1  }
0x30: {  	v5 =	vld [tilespmem:s13+$0x4280];
	v6 =	vnsel vm0, $0x0, v6  }
0x31: {  	s25 =	simm.s32 $0x20;
	s26 =	simm.s32 $0x100;
	s16 =	sor.u32 $0x380, s14;
	v0 =	vld [tilespmem:s13+$0x200];
	[tilespmem:s15+$0x8000] =	vst v6  }
0x32: {  	s14 =	sand.u32 $0x60, s25;
	s15 =	sand.u32 $0x3C00, s26;
	v6 =	vld [tilespmem:s16+$0x4000]  }
0x33: {  	v13 =	vld [tilespmem:s16+$0x0];
	s18 =	sor.u32 s14, s15  }
0x34: {  	v14 =	vld [tilespmem:s18+$0x10]  }
0x35: {  	v15 =	vld [tilespmem:s18+$0x90]  }
0x36: {  	v16 =	vld [tilespmem:s18+$0x110]  }
0x37: {  	v17 =	vld [tilespmem:s18+$0x190]  }
0x38: {  	v18 =	vld [tilespmem:s18+$0x210]  }
0x39: {  	v19 =	vld [tilespmem:s18+$0x4010]  }
0x3a: {  	v20 =	vld [tilespmem:s18+$0x4090]  }
0x3b: {  	v21 =	vld [tilespmem:s18+$0x4110]  }
0x3c: {  	v22 =	vld [tilespmem:s18+$0x4190]  }
0x3d: {  	v23 =	vld [tilespmem:s18+$0x4210]  }
0x3e: {  	v33 =	vld [tilespmem:s18+$0x4290];
	vm0 =	veq.s32 v19, $0x1  }
0x3f: {  	v34 =	vld [tilespmem:s18+$0x290];
	v14 =	vnsel vm0, $0x0, v14;
	vm0 =	veq.s32 v20, $0x1  }
0x40: {  	s28 =	simm.s32 $0x1;
	v24 =	vld [tilespmem:s18+$0x4000];
	[tilespmem:s18+$0x8010] =	vst v14;
	v35 =	vnsel vm0, $0x0, v15;
	vm0 =	veq.s32 v21, $0x1  }
0x41: {  	s14 =	sand.u32 $0x3, s28;
	v36 =	vld [tilespmem:s18+$0x4080];
	[tilespmem:s18+$0x8090] =	vst v35;
	v37 =	vnsel vm0, $0x0, v16;
	vm0 =	veq.s32 v22, $0x1  }
0x42: {  	s14 =	sshll.u32 s14, $0x5;
	v38 =	vld [tilespmem:s18+$0x4100];
	[tilespmem:s18+$0x8110] =	vst v37;
	v39 =	vnsel vm0, $0x0, v17;
	vm0 =	veq.s32 v23, $0x1  }
0x43: {  	v40 =	vld [tilespmem:s18+$0x4180];
	s20 =	sadd.s32 $0x100, s14;
	[tilespmem:s18+$0x8190] =	vst v39;
	v41 =	vnsel vm0, $0x0, v18;
	vm0 =	veq.s32 v33, $0x1  }
0x44: {  	v42 =	vld [tilespmem:s18+$0x4200];
	s14 =	sadd.s32 $0x10, s20;
	[tilespmem:s18+$0x8210] =	vst v41;
	v43 =	vnsel vm0, $0x0, v34  }
0x45: {  	v44 =	vld [tilespmem:s18+$0x4280];
	s29 =	sor.u32 $0x300, s14;
	[tilespmem:s18+$0x8290] =	vst v43  }
0x46: {  	v14 =	vld [tilespmem:s29+$0x4000]  }
0x47: {  	vm0 =	veq.s32 v10, $0x1;
	v45 =	vld [tilespmem:s29+$0x0]  }
0x48: {  	vm1 =	veq.s32 v1, $0x1;
	v46 =	vld [tilespmem:s18+$0x180];
	v1 =	vnsel vm0, $0x0, v7  }
0x49: {  	v7 =	vld [tilespmem:s18+$0x0];
	vm0 =	veq.s32 v2, $0x1;
	[tilespmem:s13+$0x8000] =	vst v1;
	v1 =	vnsel vm1, $0x0, v31  }
0x4a: {  	v2 =	vld [tilespmem:s18+$0x80];
	vm1 =	veq.s32 v3, $0x1;
	[tilespmem:s13+$0x8080] =	vst v1;
	v1 =	vnsel vm0, $0x0, v32  }
0x4b: {  	v3 =	vld [tilespmem:s18+$0x100];
	[tilespmem:s13+$0x8100] =	vst v1;
	v1 =	vnsel vm1, $0x0, v11;
	vm0 =	veq.s32 v14, $0x1  }
0x4c: {  	vm1 =	veq.s32 v4, $0x1;
	[tilespmem:s13+$0x8180] =	vst v1;
	v1 =	vld [tilespmem:s18+$0x200];
	v4 =	vnsel vm0, $0x0, v45  }
0x4d: {  	s21 =	sor.u32 $0x380, s14;
	v0 =	vnsel vm1, $0x0, v0;
	vm0 =	veq.s32 v5, $0x1;
	v5 =	vld [tilespmem:s18+$0x280];
	[tilespmem:s29+$0x8000] =	vst v4  }
0x4e: {  	[tilespmem:s13+$0x8200] =	vst v0;
	v0 =	vnsel vm0, $0x0, v12;
	v4 =	vld [tilespmem:s21+$0x4000]  }
0x4f: {  	s19 =	sor.u32 $0x300, s17;
	s15 =	simm.s32 $0x200;
	[tilespmem:s13+$0x8280] =	vst v0;
	v0 =	vld [tilespmem:s21+$0x0];
	s13 =	simm.s32 $0x40  }
0x50: {  	s22 =	sand.u32 $0x3C00, s15;
	v47 =	vld [tilespmem:s19+$0x4000];
	s30 =	sand.u32 $0x60, s13  }
0x51: {  	v48 =	vld [tilespmem:s19+$0x0];
	s14 =	sor.u32 s30, s22  }
0x52: {  	v49 =	vld [tilespmem:s14+$0x10]  }
0x53: {  	v50 =	vld [tilespmem:s14+$0x90]  }
0x54: {  	v51 =	vld [tilespmem:s14+$0x110]  }
0x55: {  	v52 =	vld [tilespmem:s14+$0x190]  }
0x56: {  	v53 =	vld [tilespmem:s14+$0x210]  }
0x57: {  	v54 =	vld [tilespmem:s14+$0x4010]  }
0x58: {  	v55 =	vld [tilespmem:s14+$0x4090]  }
0x59: {  	v25 =	vld [tilespmem:s14+$0x4110]  }
0x5a: {  	vm0 =	veq.s32 v6, $0x1;
	v6 =	vld [tilespmem:s14+$0x4190]  }
0x5b: {  	v13 =	vnsel vm0, $0x0, v13;
	vm0 =	veq.s32 v24, $0x1;
	v56 =	vld [tilespmem:s14+$0x4210]  }
0x5c: {  	[tilespmem:s16+$0x8000] =	vst v13;
	v7 =	vnsel vm0, $0x0, v7;
	v57 =	vld [tilespmem:s14+$0x4290];
	vm0 =	veq.s32 v54, $0x1  }
0x5d: {  	[tilespmem:s18+$0x8000] =	vst v7;
	v58 =	vld [tilespmem:s14+$0x290];
	v7 =	vnsel vm0, $0x0, v49;
	vm0 =	veq.s32 v55, $0x1  }
0x5e: {  	s16 =	simm.s32 $0x2;
	v59 =	vld [tilespmem:s14+$0x4000];
	[tilespmem:s14+$0x8010] =	vst v7;
	v7 =	vnsel vm0, $0x0, v50;
	vm0 =	veq.s32 v25, $0x1  }
0x5f: {  	s31 =	sand.u32 $0x3, s16;
	v60 =	vld [tilespmem:s14+$0x4100];
	[tilespmem:s14+$0x8090] =	vst v7;
	v7 =	vnsel vm0, $0x0, v51;
	vm0 =	veq.s32 v6, $0x1  }
0x60: {  	s22 =	sshll.u32 s31, $0x5;
	v61 =	vld [tilespmem:s14+$0x4180];
	[tilespmem:s14+$0x8110] =	vst v7;
	v7 =	vnsel vm0, $0x0, v52;
	vm0 =	veq.s32 v56, $0x1  }
0x61: {  	v62 =	vld [tilespmem:s14+$0x4200];
	s23 =	sadd.s32 $0x200, s22;
	[tilespmem:s14+$0x8190] =	vst v7;
	v7 =	vnsel vm0, $0x0, v53;
	vm0 =	veq.s32 v57, $0x1  }
0x62: {  	vm1 =	veq.s32 v36, $0x1;
	s22 =	sadd.s32 $0x10, s23;
	v6 =	vld [tilespmem:s14+$0x4080];
	[tilespmem:s14+$0x8210] =	vst v7;
	v7 =	vnsel vm0, $0x0, v58  }
0x63: {  	v2 =	vnsel vm1, $0x0, v2;
	s24 =	sor.u32 $0x300, s22;
	vm0 =	veq.s32 v38, $0x1;
	[tilespmem:s14+$0x8290] =	vst v7;
	v7 =	vld [tilespmem:s14+$0x4280]  }
0x64: {  	vm1 =	veq.s32 v40, $0x1;
	[tilespmem:s18+$0x8080] =	vst v2;
	v2 =	vnsel vm0, $0x0, v3;
	v3 =	vld [tilespmem:s24+$0x4000]  }
0x65: {  	vm0 =	veq.s32 v42, $0x1;
	[tilespmem:s18+$0x8100] =	vst v2;
	v2 =	vnsel vm1, $0x0, v46;
	v63 =	vld [tilespmem:s24+$0x0]  }
0x66: {  	vm1 =	veq.s32 v44, $0x1;
	v1 =	vnsel vm0, $0x0, v1;
	[tilespmem:s18+$0x8180] =	vst v2;
	v2 =	vld [tilespmem:s14+$0x0]  }
0x67: {  	vm0 =	veq.s32 v4, $0x1;
	v4 =	vld [tilespmem:s14+$0x80];
	[tilespmem:s18+$0x8200] =	vst v1;
	v1 =	vnsel vm1, $0x0, v5  }
0x68: {  	v0 =	vnsel vm0, $0x0, v0;
	vm0 =	veq.s32 v47, $0x1;
	[tilespmem:s18+$0x8280] =	vst v1;
	v1 =	vld [tilespmem:s14+$0x100]  }
0x69: {  	v5 =	vld [tilespmem:s14+$0x180];
	[tilespmem:s21+$0x8000] =	vst v0;
	v0 =	vnsel vm0, $0x0, v48;
	vm0 =	veq.s32 v3, $0x1  }
0x6a: {  	vm1 =	veq.s32 v59, $0x1;
	[tilespmem:s19+$0x8000] =	vst v0;
	v3 =	vld [tilespmem:s14+$0x200];
	v0 =	vnsel vm0, $0x0, v63  }
0x6b: {  	s22 =	sor.u32 $0x380, s22;
	vm0 =	veq.s32 v6, $0x1;
	v6 =	vnsel vm1, $0x0, v2;
	v2 =	vld [tilespmem:s14+$0x280];
	[tilespmem:s24+$0x8000] =	vst v0  }
0x6c: {  	vm1 =	veq.s32 v60, $0x1;
	[tilespmem:s14+$0x8000] =	vst v6;
	v4 =	vnsel vm0, $0x0, v4;
	v0 =	vld [tilespmem:s22+$0x4000]  }
0x6d: {  	s17 =	sor.u32 $0x380, s17;
	vm2 =	veq.s32 v61, $0x1;
	s19 =	sor.u32 $0x300, s20;
	[tilespmem:s14+$0x8080] =	vst v4;
	v4 =	vnsel vm1, $0x0, v1;
	v1 =	vld [tilespmem:s22+$0x0]  }
0x6e: {  	s18 =	sor.u32 $0x380, s20;
	s21 =	sor.u32 $0x300, s23;
	s20 =	sor.u32 $0x380, s23;
	v5 =	vnsel vm2, $0x0, v5;
	vm0 =	veq.s32 v7, $0x1;
	vm1 =	veq.s32 v62, $0x1;
	[tilespmem:s14+$0x8100] =	vst v4;
	v4 =	vld [tilespmem:s19+$0x4000]  }
.LBB2_2:
0x6f: {  	s13 =	sadd.s32 $0x20, s13;
	[tilespmem:s14+$0x8180] =	vst v5;
	v3 =	vnsel vm1, $0x0, v3;
	s15 =	sadd.s32 $0x100, s15;
	v5 =	vld [tilespmem:s19+$0x0]  }
0x70: {  	s23 =	sand.u32 $0x60, s13;
	s24 =	sand.u32 $0x3C00, s15;
	p0 =	slt.u32 s13, $0x7E0;
	[tilespmem:s14+$0x8200] =	vst v3;
	v2 =	vnsel vm0, $0x0, v2;
	v3 =	vld [tilespmem:s17+$0x4000]  }
0x71: {  	[tilespmem:s14+$0x8280] =	vst v2;
	s14 =	sor.u32 s23, s24;
	vm0 =	veq.s32 v0, $0x1;
	v0 =	vld [tilespmem:s17+$0x0]  }
0x72: {  	v2 =	vld [tilespmem:s14+$0x10];
	v1 =	vnsel vm0, $0x0, v1  }
0x73: {  	v6 =	vld [tilespmem:s14+$0x90];
	[tilespmem:s22+$0x8000] =	vst v1;
	vm0 =	veq.s32 v4, $0x1  }
0x74: {  	v1 =	vld [tilespmem:s14+$0x110];
	v4 =	vnsel vm0, $0x0, v5  }
0x75: {  	v5 =	vld [tilespmem:s14+$0x190];
	[tilespmem:s19+$0x8000] =	vst v4;
	vm0 =	veq.s32 v3, $0x1;
	s19 =	smov.u32 s21  }
0x76: {  	v3 =	vld [tilespmem:s14+$0x210];
	v0 =	vnsel vm0, $0x0, v0  }
0x77: {  	v4 =	vld [tilespmem:s14+$0x4010];
	[tilespmem:s17+$0x8000] =	vst v0;
	s17 =	smov.u32 s18;
	s18 =	smov.u32 s20  }
0x78: {  	v0 =	vld [tilespmem:s14+$0x4090]  }
0x79: {  	v7 =	vld [tilespmem:s14+$0x4110]  }
0x7a: {  	v8 =	vld [tilespmem:s14+$0x4190]  }
0x7b: {  	v9 =	vld [tilespmem:s14+$0x4210]  }
0x7c: {  	vm0 =	veq.s32 v4, $0x1;
	v4 =	vld [tilespmem:s14+$0x4290]  }
0x7d: {  	v2 =	vnsel vm0, $0x0, v2;
	vm0 =	veq.s32 v0, $0x1;
	v0 =	vld [tilespmem:s14+$0x290]  }
0x7e: {  	s16 =	sadd.s32 $0x1, s16;
	v10 =	vld [tilespmem:s14+$0x4000];
	[tilespmem:s14+$0x8010] =	vst v2;
	v2 =	vnsel vm0, $0x0, v6;
	vm0 =	veq.s32 v7, $0x1  }
0x7f: {  	s20 =	sand.u32 $0x3, s16;
	v6 =	vld [tilespmem:s14+$0x4080];
	[tilespmem:s14+$0x8090] =	vst v2;
	v1 =	vnsel vm0, $0x0, v1;
	vm0 =	veq.s32 v8, $0x1  }
0x80: {  	s20 =	sshll.u32 s20, $0x5;
	v2 =	vld [tilespmem:s14+$0x4100];
	[tilespmem:s14+$0x8110] =	vst v1;
	v1 =	vnsel vm0, $0x0, v5;
	vm0 =	veq.s32 v9, $0x1  }
0x81: {  	s22 =	sadd.s32 s20, s15;
	v5 =	vld [tilespmem:s14+$0x4180];
	[tilespmem:s14+$0x8190] =	vst v1;
	v1 =	vnsel vm0, $0x0, v3;
	vm0 =	veq.s32 v4, $0x1  }
0x82: {  	s21 =	sor.u32 $0x300, s22;
	s20 =	sor.u32 $0x380, s22;
	s22 =	sadd.s32 $0x10, s22;
	v3 =	vld [tilespmem:s14+$0x4200];
	[tilespmem:s14+$0x8210] =	vst v1;
	v0 =	vnsel vm0, $0x0, v0  }
0x83: {  	s23 =	sor.u32 $0x300, s22;
	vm2 =	veq.s32 v10, $0x1;
	v1 =	vld [tilespmem:s14+$0x4280];
	[tilespmem:s14+$0x8290] =	vst v0  }
0x84: {  	vm3 =	veq.s32 v6, $0x1;
	v0 =	vld [tilespmem:s23+$0x4000]  }
0x85: {  	vm4 =	veq.s32 v2, $0x1;
	v2 =	vld [tilespmem:s23+$0x0]  }
0x86: {  	v4 =	vld [tilespmem:s14+$0x0];
	vm5 =	veq.s32 v5, $0x1  }
0x87: {  	v5 =	vld [tilespmem:s14+$0x80];
	vm1 =	veq.s32 v3, $0x1  }
0x88: {  	v6 =	vld [tilespmem:s14+$0x100];
	vm0 =	veq.s32 v1, $0x1  }
0x89: {  	v7 =	vld [tilespmem:s14+$0x180];
	vm6 =	veq.s32 v0, $0x1  }
.Ltmp0:
0x8a: {  	v3 =	vld [tilespmem:s14+$0x200];
	v0 =	vnsel vm6, $0x0, v2;
	(pc) =	sbr.rel @p0 .LBB2_2-.Ltmp0, $4  }
0x8b: {  	s22 =	sor.u32 $0x380, s22;
	v1 =	vnsel vm2, $0x0, v4;
	v2 =	vld [tilespmem:s14+$0x280];
	[tilespmem:s23+$0x8000] =	vst v0  }
0x8c: {  	[tilespmem:s14+$0x8000] =	vst v1;
	v1 =	vnsel vm3, $0x0, v5;
	v0 =	vld [tilespmem:s22+$0x4000]  }
0x8d: {  	[tilespmem:s14+$0x8080] =	vst v1;
	v4 =	vnsel vm4, $0x0, v6;
	v1 =	vld [tilespmem:s22+$0x0]  }
0x8e: {  	[tilespmem:s14+$0x8100] =	vst v4;
	v5 =	vnsel vm5, $0x0, v7;
	v4 =	vld [tilespmem:s19+$0x4000]  }
0x8f: {  	[tilespmem:s14+$0x8180] =	vst v5;
	v3 =	vnsel vm1, $0x0, v3  }
0x90: {  	[tilespmem:s14+$0x8200] =	vst v3;
	v2 =	vnsel vm0, $0x0, v2  }
0x91: {  	v56 =	vld [tilespmem:s19+$0x0];
	[tilespmem:s14+$0x8280] =	vst v2  }
0x92: {  	v2 =	vld [tilespmem:s21+$0x4000]  }
0x93: {  	v5 =	vld [tilespmem:s21+$0x0];
	_ =	sdelay $0x1  }
0x94: {  	vm10 =	veq.s32 v4, $0x1  }
0x95: {  	v57 =	vld [tilespmem:s17+$0x4000];
	v3 =	vnsel vm10, $0x0, v56  }
0x96: {  	v6 =	vld [tilespmem:s17+$0x0];
	[tilespmem:s19+$0x8000] =	vst v3;
	vm11 =	veq.s32 v2, $0x1  }
0x97: {  	v58 =	vld [tilespmem:s18+$0x4000];
	v59 =	vnsel vm11, $0x0, v5  }
0x98: {  	v60 =	vld [tilespmem:s18+$0x0];
	[tilespmem:s21+$0x8000] =	vst v59  }
0x99: {  	v3 =	vld [tilespmem:s20+$0x4000]  }
0x9a: {  	v7 =	vld [tilespmem:s20+$0x0]  }
0x9b: {  	vm12 =	veq.s32 v0, $0x1  }
0x9c: {  	v0 =	vnsel vm12, $0x0, v1;
	vm13 =	veq.s32 v57, $0x1  }
0x9d: {  	[tilespmem:s22+$0x8000] =	vst v0;
	v61 =	vnsel vm13, $0x0, v6;
	vm14 =	veq.s32 v58, $0x1  }
0x9e: {  	s12 =	sadd.s32 $0x1, s12;
	[tilespmem:s17+$0x8000] =	vst v61;
	v62 =	vnsel vm14, $0x0, v60;
	vm15 =	veq.s32 v3, $0x1  }
0x9f: {  	p0 =	sne.s32 s12, s7;
	[tilespmem:s18+$0x8000] =	vst v62;
	v63 =	vnsel vm15, $0x0, v7  }
.Ltmp1:
0xa0: {  	[tilespmem:s20+$0x8000] =	vst v63;
	(pc) =	sbr.rel @p0 .LBB2_1-.Ltmp1, $4  }
0xa1: {  	[hbm4b:s6+s2] =	stream.linear.scatter [tilespmem:s10], [sflag:$0x3], $0x4000, $0x38;
	[tilespmem:$0xC000] =	vst v63  }
0xa2: {  	_ =	swait.ge [sflag:s11], $0x4000  }
0xa3: {  	[sflag:s11] =	ssyncset.done $0x0  }
0xa4: {  	[sflag:s11] =	ssyncadd.s32 $0xFFFFC000  }
0xa5: {  	_ =	sfence.sel $0x180000  }
0xa6: {  	[bflag:$0x0] =	sbarrier.arrive $0xFFFF  }
0xa7: {  	p0 =	sne.s32 s0, $0x0;
	_ =	strace $0x90000047  }
0xa8: {  	s0 =	sadd.s32 @!p0 $0x100000, s1;
	[bflag:$0x2] =	sbarrier.arrive $0xFFFF  }
0xa9: {  	[sflag:s0] =	ssyncadd.tile.s32 @!p0 $0x1;
	_ =	shalt  }
.Lfunc_end2:
_tile_overlayer_lowered:
.L_overlay_start_2:
0xaa: {  	(tag) =	ssettag $0x2  }
0xab: {  	s0 =	rddreg [dreg:$0x0];
	s2 =	stileid.u32  }
0xac: {  	s1 =	rddreg [dreg:$0x1];
	p0 =	sne.s32 s2, $0x0  }
0xad: {  	s3 =	rddreg [dreg:$0x2];
	[bflag:$0x3] =	sbarrier.arrive $0xFFFF;
	s2 =	simm.s32 @!p0 $0x1C04  }
0xae: {  	[timem:s3], [sflag:s2] =	dma.local @!p0 [hbm:s0], s1  }
0xaf: {  	s0 =	simm.s32 @!p0 $0x4  }
0xb0: {  	_ =	swait.ge @!p0 [sflag:s0], s1  }
0xb1: {  	s1 =	ssub.s32 @!p0 $0x0, s1;
	[sflag:s0] =	ssyncset.done @!p0 $0x0  }
0xb2: {  	[sflag:s0] =	ssyncadd.s32 @!p0 s1  }
0xb3: {  	[bflag:$0x3] =	sbarrier.arrive $0xFFFF  }
0xb4: {  	_ =	shalt  }

</sc_bundles>
